<compile_context>
chip_gen: v7x
topology: tpu7x:2x2x1
jax: 0.10.2.dev20260603
libtpu: 0.0.44.dev20260713+nightly
codegen_flags: <defaults>
</compile_context>

<pallas_src>
import functools

import jax
import jax.numpy as jnp
from jax import lax
from jax.experimental import pallas as pl
from jax.experimental.pallas import tpu as pltpu
from jax.experimental.pallas import tpu_sc as plsc

_NC = 2
_NS = 16
_L = 16


def _rsqrt16(x):
    i = plsc.bitcast(x, jnp.int32)
    i = 0x5F3759DF - lax.shift_right_arithmetic(i, 1)
    y = plsc.bitcast(i, jnp.float32)
    for _ in range(3):
        y = y * (1.5 - 0.5 * x * y * y)
    return y


def _sc_graph_vectors(edges, NT, n_real):
    EP = edges.shape[1]
    ET = EP // _NS
    G = ET // _L
    DELTA = (ET // 128) * 128
    WS = EP - (_NS - 1) * DELTA
    SKEW_G = (ET - DELTA) // _L
    SL = NT // _NS
    SLG = SL // _L
    mesh = plsc.VectorSubcoreMesh(
        core_axis_name="c", subcore_axis_name="s",
        num_cores=_NC, num_subcores=_NS)

    @functools.partial(
        pl.kernel,
        out_type=[jax.ShapeDtypeStruct((NT,), jnp.float32),
                  jax.ShapeDtypeStruct((NT,), jnp.float32)],
        mesh=mesh,
        scratch_types=[
            pltpu.VMEM((2, WS), jnp.int32),
            pltpu.VMEM((ET,), jnp.int32),
            pltpu.SemaphoreType.DMA,
            pltpu.VMEM((NT,), jnp.float32),
            pltpu.VMEM((NT,), jnp.float32),
            pltpu.VMEM((NT,), jnp.float32),
            pltpu.VMEM((_NS, SL), jnp.float32),
            pltpu.VMEM((SL,), jnp.float32),
            pltpu.VMEM((SL,), jnp.float32),
            pltpu.VMEM_SHARED((_NS, NT), jnp.float32),
            pltpu.VMEM_SHARED((NT,), jnp.float32),
        ],
        compiler_params=pltpu.CompilerParams(needs_layout_passes=False),
    )
    def run(edges_hbm, c_hbm, d_hbm,
            ew_v, pk_v, dma_sem, dinv_v, wtab_v, acc_v, comb_v, stage_v,
            stage2_v, parts_s, tab_s):
        cid = lax.axis_index("c")
        sid = lax.axis_index("s")
        is_out = cid == 0
        go = sid * SKEW_G
        edge_dma = pltpu.async_copy(
            edges_hbm.at[:, pl.ds(sid * DELTA, WS)], ew_v, dma_sem)

        def zero_acc():
            @plsc.parallel_loop(0, NT // _L, unroll=4)
            def zero_body(i):
                acc_v[pl.ds(i * _L, _L)] = jnp.zeros((_L,), jnp.float32)

        def publish_and_gather_slices():
            pltpu.sync_copy(acc_v, parts_s.at[sid])
            plsc.subcore_barrier()
            pltpu.sync_copy(parts_s.at[:, pl.ds(sid * SL, SL)], comb_v)

        def slice_total(j):
            base = j * _L
            v = comb_v[0, pl.ds(base, _L)]
            for k in range(1, _NS):
                v = v + comb_v[k, pl.ds(base, _L)]
            return v

        zero_acc()
        edge_dma.wait()
        one = jnp.ones((_L,), jnp.float32)

        @plsc.parallel_loop(0, G, unroll=4)
        def deg_body(i):
            s = ew_v[0, pl.ds((go + i) * _L, _L)]
            d = ew_v[1, pl.ds((go + i) * _L, _L)]
            pk_v[pl.ds(i * _L, _L)] = jnp.bitwise_or(d, lax.shift_left(s, 16))
            plsc.addupdate_scatter(acc_v, [d], one)

        publish_and_gather_slices()

        @plsc.parallel_loop(0, SLG, unroll=2)
        def dinv_body(j):
            deg = 1.0 + slice_total(j)
            stage_v[pl.ds(j * _L, _L)] = _rsqrt16(deg)

        pltpu.sync_copy(stage_v, tab_s.at[pl.ds(sid * SL, SL)])
        plsc.subcore_barrier()
        pltpu.sync_copy(tab_s, dinv_v)

        zero_acc()

        @plsc.parallel_loop(0, G, unroll=4)
        def s1_body(i):
            p = pk_v[pl.ds(i * _L, _L)]
            vals = plsc.load_gather(dinv_v, [p & 0xFFFF])
            plsc.addupdate_scatter(acc_v, [lax.shift_right_logical(p, 16)],
                                   vals)

        publish_and_gather_slices()
        lane = lax.iota(jnp.int32, _L)

        @plsc.parallel_loop(0, SLG, unroll=2)
        def cw_body(j):
            base = j * _L
            s1 = slice_total(j)
            dinv = dinv_v[pl.ds(sid * SL + base, _L)]
            col = sid * SL + base + lane
            c = jnp.where(col < n_real, dinv * (dinv + s1), 0.0)
            stage_v[pl.ds(base, _L)] = c
            stage2_v[pl.ds(base, _L)] = dinv * c

        @pl.when(is_out)
        def _():
            pltpu.sync_copy(stage_v, c_hbm.at[pl.ds(sid * SL, SL)])

        pltpu.sync_copy(stage2_v, tab_s.at[pl.ds(sid * SL, SL)])
        plsc.subcore_barrier()
        pltpu.sync_copy(tab_s, wtab_v)

        zero_acc()

        @plsc.parallel_loop(0, G, unroll=4)
        def s2_body(i):
            p = pk_v[pl.ds(i * _L, _L)]
            vals = plsc.load_gather(wtab_v, [p & 0xFFFF])
            plsc.addupdate_scatter(acc_v, [lax.shift_right_logical(p, 16)],
                                   vals)

        publish_and_gather_slices()

        @plsc.parallel_loop(0, SLG, unroll=2)
        def d_body(j):
            base = j * _L
            s2 = slice_total(j)
            dinv = dinv_v[pl.ds(sid * SL + base, _L)]
            w = wtab_v[pl.ds(sid * SL + base, _L)]
            stage_v[pl.ds(base, _L)] = dinv * (w + s2)

        @pl.when(is_out)
        def _():
            pltpu.sync_copy(stage_v, d_hbm.at[pl.ds(sid * SL, SL)])

    return run(edges)


def _tc_tail(c, d, x, W1, b1, W2, b2, W_out, b_out):
    n_nodes, _ = x.shape
    T = W_out.shape[1]

    def body(c_ref, d_ref, x_ref,
             W1_ref, b1_ref, W2_ref, b2_ref, Wo_ref, bo_ref, out_ref):
        Sc = jnp.sum(c_ref[...])
        d = d_ref[...][:, :n_nodes]
        v = jnp.dot(d, x_ref[...], preferred_element_type=jnp.float32)
        u = jnp.dot(v, W1_ref[...],
                    preferred_element_type=jnp.float32) + Sc * b1_ref[...]
        pooled = jnp.dot(u, W2_ref[...],
                         preferred_element_type=jnp.float32) * (1.0 / n_nodes)
        pooled = pooled + b2_ref[...]
        pred = jnp.dot(pooled, Wo_ref[...],
                       preferred_element_type=jnp.float32) + bo_ref[...]
        m = jnp.max(pred, axis=1, keepdims=True)
        lse = jnp.log(jnp.sum(jnp.exp(pred - m), axis=1, keepdims=True)) + m
        out_ref[...] = pred - lse

    return pl.pallas_call(
        body, out_shape=jax.ShapeDtypeStruct((1, T), jnp.float32),
    )(c.reshape(1, -1), d.reshape(1, -1), x,
      W1, b1.reshape(1, -1), W2, b2.reshape(1, -1),
      W_out, b_out.reshape(1, -1))


def kernel(features, edges, W1, b1, W2, b2, W_out, b_out):
    n = features.shape[0]
    e = edges.shape[1]

    nt = ((n + 1 + 255) // 256) * 256
    chunk = _NS * _L
    ep = ((e + chunk - 1) // chunk) * chunk
    if ep != e:
        pad = jnp.full((2, ep - e), n, dtype=edges.dtype)
        edges = jnp.concatenate([edges, pad], axis=1)

    c, d = _sc_graph_vectors(edges, nt, n)
    return _tc_tail(c, d, features, W1, b1, W2, b2, W_out, b_out)

# --- scband reference (transcript-rebuilt; emitter-appended) ---
"""Pipeline reference for scband-caps-gnn-72069551227103 (READ-ONLY COPY).

The authoritative reference and input builder live on the scoring server;
editing this copy changes nothing except your own understanding.
"""

import jax, jax.numpy as jnp
import numpy as np

N = 10000
E = 320000
D = 128
T = 10


def setup_inputs(seed: int = 0) -> dict:
    key = jax.random.key(seed)
    ks = jax.random.split(key, 8)
    features = jax.random.normal(ks[0], (N, D), dtype=jnp.float32)
    edges = jax.random.randint(ks[1], (2, E), 0, N, dtype=jnp.int32)
    # GCNConv layer 1 params (glorot-style init)
    W1 = jax.random.normal(ks[2], (D, D), dtype=jnp.float32) * (1.0 / np.sqrt(D))
    b1 = jnp.zeros((D,), dtype=jnp.float32)
    # GCNConv layer 2 params
    W2 = jax.random.normal(ks[3], (D, D), dtype=jnp.float32) * (1.0 / np.sqrt(D))
    b2 = jnp.zeros((D,), dtype=jnp.float32)
    # output linear layer
    W_out = jax.random.normal(ks[4], (D, T), dtype=jnp.float32) * (1.0 / np.sqrt(D))
    b_out = jnp.zeros((T,), dtype=jnp.float32)
    return {"features": features, "edges": edges, "W1": W1, "b1": b1,
            "W2": W2, "b2": b2, "W_out": W_out, "b_out": b_out}


def _gcn_conv(x, edge_index, W, b):
    # Faithful to torch_geometric GCNConv defaults:
    # add self-loops, symmetric normalization D^{-1/2} A_hat D^{-1/2}, then x @ W + b
    xw = x @ W
    loop = jnp.arange(N, dtype=edge_index.dtype)
    src = jnp.concatenate([edge_index[0], loop])
    dst = jnp.concatenate([edge_index[1], loop])
    deg = jnp.zeros((N,), dtype=jnp.float32).at[dst].add(1.0)
    dinv = jnp.where(deg > 0, 1.0 / jnp.sqrt(deg), 0.0)
    norm = dinv[src] * dinv[dst]
    msgs = xw[src] * norm[:, None]
    out = jnp.zeros_like(xw).at[dst].add(msgs)
    return out + b


def reference(features, edges, W1, b1, W2, b2, W_out, b_out):
    h = _gcn_conv(features, edges, W1, b1)
    h = _gcn_conv(h, edges, W2, b2)
    pooled = jnp.mean(h, axis=0)
    pred = pooled @ W_out + b_out
    logp = jax.nn.log_softmax(pred, axis=0)
    return logp.reshape(1, -1)

if __name__ == "__main__":
    import jax
    _d = setup_inputs()
    print(jax.jit(kernel)(*tuple(_d.values())))

</pallas_src>

<mosaic_0001>
#map = affine_map<(d0, d1) -> (0, 0)>
#map1 = affine_map<(d0, d1) -> (0)>
module attributes {stable_mosaic.version = 14 : i64} {
  func.func @run(%arg0: i32, %arg1: i32, %arg2: memref<2x320000xi32, #tpu.memory_space<hbm>>, %arg3: memref<10240xf32, #tpu.memory_space<hbm>>, %arg4: memref<10240xf32, #tpu.memory_space<hbm>>, %arg5: memref<2x20480xi32, #tpu.memory_space<vmem>>, %arg6: memref<20000xi32, #tpu.memory_space<vmem>>, %arg7: memref<!tpu.dma_semaphore, #tpu.memory_space<semaphore_mem>>, %arg8: memref<10240xf32, #tpu.memory_space<vmem>>, %arg9: memref<10240xf32, #tpu.memory_space<vmem>>, %arg10: memref<10240xf32, #tpu.memory_space<vmem>>, %arg11: memref<16x640xf32, #tpu.memory_space<vmem>>, %arg12: memref<640xf32, #tpu.memory_space<vmem>>, %arg13: memref<640xf32, #tpu.memory_space<vmem>>, %arg14: memref<16x10240xf32, #tpu.memory_space<vmem_shared>>, %arg15: memref<10240xf32, #tpu.memory_space<vmem_shared>>) attributes {dimension_semantics = [#tpu.dimension_semantics<core_parallel>, #tpu.dimension_semantics<subcore_parallel>], iteration_bounds = array<i64: 2, 16>, scalar_prefetch = 0 : i64, scratch_operands = 11 : i64, tpu.core_type = #tpu.core_type<sc_vector_subcore>, window_params = [{transform_indices = #map}, {transform_indices = #map1}, {transform_indices = #map1}]} {
    %eq3A = arith.constant 0 : i32
    %eq3A_0 = arith.cmpi eq, %arg0, %eq3A : i32
    %mul3A = arith.constant 2 : i32
    %mul3A_1 = arith.muli %arg1, %mul3A : i32
    %mul3A_2 = arith.constant 19968 : i32
    %mul3A_3 = arith.muli %arg1, %mul3A_2 : i32
    %dma_start3A = arith.constant 0 : i32
    %dma_start3A_4 = tpu.memref_slice %arg2[%dma_start3A, %mul3A_3] : memref<2x320000xi32, #tpu.memory_space<hbm>> -> memref<2x20480xi32, #tpu.memory_space<hbm>>
    %dma_start3A_5 = arith.constant 0 : i32
    %dma_start3A_6 = tpu.memref_slice %arg2[%dma_start3A_5, %mul3A_3] : memref<2x320000xi32, #tpu.memory_space<hbm>> -> memref<2x20480xi32, #tpu.memory_space<hbm>>
    tpu.enqueue_dma source(%dma_start3A_6 : memref<2x20480xi32, #tpu.memory_space<hbm>>) target(%arg5 : memref<2x20480xi32, #tpu.memory_space<vmem>>) target_semaphore(%arg7 : memref<!tpu.dma_semaphore, #tpu.memory_space<semaphore_mem>>)
    %parallel_loop3A = arith.constant 0 : i32
    %parallel_loop3A_7 = arith.constant 640 : i32
    %parallel_loop3A_8 = arith.constant 1 : i32
    scf.for %parallel_loop3A_55 = %parallel_loop3A to %parallel_loop3A_7 step %parallel_loop3A_8  : i32 {
      %parallel_loop3A_56 = arith.constant 0.000000e+00 : f32
      %parallel_loop3A_57 = vector.broadcast %parallel_loop3A_56 : f32 to vector<16xf32>
      %parallel_loop3A_58 = arith.constant 16 : i32
      %parallel_loop3A_59 = arith.muli %parallel_loop3A_55, %parallel_loop3A_58 : i32
      %parallel_loop3A_60 = arith.index_cast %parallel_loop3A_59 : i32 to index
      %parallel_loop3A_61 = tpu.vector_load %arg10[%parallel_loop3A_60] {strides = array<i32>} : memref<10240xf32, #tpu.memory_space<vmem>>, vector<16xf32>,
      tpu.vector_store %arg10[%parallel_loop3A_60], %parallel_loop3A_57 {strides = array<i32>} : memref<10240xf32, #tpu.memory_space<vmem>>, vector<16xf32>,
    } {sc.loop_unroll_factor = 4 : i64, sc.parallel_access}
    %dma_wait3A = arith.constant 0 : i32
    %dma_wait3A_9 = tpu.memref_slice %arg2[%dma_wait3A, %mul3A_3] : memref<2x320000xi32, #tpu.memory_space<hbm>> -> memref<2x20480xi32, #tpu.memory_space<hbm>>
    %dma_wait3A_10 = arith.constant 0 : i32
    %dma_wait3A_11 = tpu.memref_slice %arg2[%dma_wait3A_10, %mul3A_3] : memref<2x320000xi32, #tpu.memory_space<hbm>> -> memref<2x20480xi32, #tpu.memory_space<hbm>>
    tpu.wait_dma2 semaphore(%arg7 : memref<!tpu.dma_semaphore, #tpu.memory_space<semaphore_mem>>) src(%dma_wait3A_11 : memref<2x20480xi32, #tpu.memory_space<hbm>>) dst(%arg5 : memref<2x20480xi32, #tpu.memory_space<vmem>>)
    %broadcast_in_dim3A = arith.constant 1.000000e+00 : f32
    %broadcast_in_dim3A_12 = vector.broadcast %broadcast_in_dim3A : f32 to vector<16xf32>
    %parallel_loop3A_13 = arith.constant 0 : i32
    %parallel_loop3A_14 = arith.constant 1250 : i32
    %parallel_loop3A_15 = arith.constant 1 : i32
    scf.for %parallel_loop3A_55 = %parallel_loop3A_13 to %parallel_loop3A_14 step %parallel_loop3A_15  : i32 {
      %parallel_loop3A_56 = arith.addi %mul3A_1, %parallel_loop3A_55 : i32
      %parallel_loop3A_57 = arith.constant 16 : i32
      %parallel_loop3A_58 = arith.muli %parallel_loop3A_56, %parallel_loop3A_57 : i32
      %parallel_loop3A_59 = arith.constant 0 : i32
      %parallel_loop3A_60 = arith.index_cast %parallel_loop3A_59 : i32 to index
      %parallel_loop3A_61 = arith.index_cast %parallel_loop3A_58 : i32 to index
      %parallel_loop3A_62 = tpu.vector_load %arg5[%parallel_loop3A_60, %parallel_loop3A_61] {strides = array<i32>} : memref<2x20480xi32, #tpu.memory_space<vmem>>, vector<16xi32>,
      %parallel_loop3A_63 = arith.addi %mul3A_1, %parallel_loop3A_55 : i32
      %parallel_loop3A_64 = arith.constant 16 : i32
      %parallel_loop3A_65 = arith.muli %parallel_loop3A_63, %parallel_loop3A_64 : i32
      %parallel_loop3A_66 = arith.constant 1 : i32
      %parallel_loop3A_67 = arith.index_cast %parallel_loop3A_66 : i32 to index
      %parallel_loop3A_68 = arith.index_cast %parallel_loop3A_65 : i32 to index
      %parallel_loop3A_69 = tpu.vector_load %arg5[%parallel_loop3A_67, %parallel_loop3A_68] {strides = array<i32>} : memref<2x20480xi32, #tpu.memory_space<vmem>>, vector<16xi32>,
      %parallel_loop3A_70 = arith.constant 16 : i32
      %parallel_loop3A_71 = vector.broadcast %parallel_loop3A_70 : i32 to vector<16xi32>
      %parallel_loop3A_72 = arith.shli %parallel_loop3A_62, %parallel_loop3A_71 : vector<16xi32>
      %parallel_loop3A_73 = arith.ori %parallel_loop3A_69, %parallel_loop3A_72 : vector<16xi32>
      %parallel_loop3A_74 = arith.constant 16 : i32
      %parallel_loop3A_75 = arith.muli %parallel_loop3A_55, %parallel_loop3A_74 : i32
      %parallel_loop3A_76 = arith.index_cast %parallel_loop3A_75 : i32 to index
      %parallel_loop3A_77 = tpu.vector_load %arg6[%parallel_loop3A_76] {strides = array<i32>} : memref<20000xi32, #tpu.memory_space<vmem>>, vector<16xi32>,
      tpu.vector_store %arg6[%parallel_loop3A_76], %parallel_loop3A_73 {strides = array<i32>} : memref<20000xi32, #tpu.memory_space<vmem>>, vector<16xi32>,
      tpu.vector_store_idx %arg10[%parallel_loop3A_69], %broadcast_in_dim3A_12 {add = true} : memref<10240xf32, #tpu.memory_space<vmem>>[vector<16xi32>], vector<16xf32>,
    } {sc.loop_unroll_factor = 4 : i64, sc.parallel_access}
    "tpu.region"() ({
      %run_scoped3A = tpu.sem_alloc : memref<!tpu.dma_semaphore, #tpu.memory_space<semaphore_mem>>
      %dma_start3A_55 = arith.constant 0 : i32
      %dma_start3A_56 = tpu.memref_slice %arg14[%arg1, %dma_start3A_55] : memref<16x10240xf32, #tpu.memory_space<vmem_shared>> -> memref<1x10240xf32, #tpu.memory_space<vmem_shared>>
      %dma_start3A_57 = tpu.memref_squeeze %dma_start3A_56 : memref<1x10240xf32, #tpu.memory_space<vmem_shared>> -> memref<10240xf32, #tpu.memory_space<vmem_shared>>
      %dma_start3A_58 = arith.constant 0 : i32
      %dma_start3A_59 = tpu.memref_slice %arg14[%arg1, %dma_start3A_58] : memref<16x10240xf32, #tpu.memory_space<vmem_shared>> -> memref<1x10240xf32, #tpu.memory_space<vmem_shared>>
      %dma_start3A_60 = tpu.memref_squeeze %dma_start3A_59 : memref<1x10240xf32, #tpu.memory_space<vmem_shared>> -> memref<10240xf32, #tpu.memory_space<vmem_shared>>
      tpu.enqueue_dma source(%arg10 : memref<10240xf32, #tpu.memory_space<vmem>>) target(%dma_start3A_60 : memref<10240xf32, #tpu.memory_space<vmem_shared>>) target_semaphore(%run_scoped3A : memref<!tpu.dma_semaphore, #tpu.memory_space<semaphore_mem>>)
      %dma_wait3A_61 = arith.constant 0 : i32
      %dma_wait3A_62 = tpu.memref_slice %arg14[%arg1, %dma_wait3A_61] : memref<16x10240xf32, #tpu.memory_space<vmem_shared>> -> memref<1x10240xf32, #tpu.memory_space<vmem_shared>>
      %dma_wait3A_63 = tpu.memref_squeeze %dma_wait3A_62 : memref<1x10240xf32, #tpu.memory_space<vmem_shared>> -> memref<10240xf32, #tpu.memory_space<vmem_shared>>
      %dma_wait3A_64 = arith.constant 0 : i32
      %dma_wait3A_65 = tpu.memref_slice %arg14[%arg1, %dma_wait3A_64] : memref<16x10240xf32, #tpu.memory_space<vmem_shared>> -> memref<1x10240xf32, #tpu.memory_space<vmem_shared>>
      %dma_wait3A_66 = tpu.memref_squeeze %dma_wait3A_65 : memref<1x10240xf32, #tpu.memory_space<vmem_shared>> -> memref<10240xf32, #tpu.memory_space<vmem_shared>>
      tpu.wait_dma2 semaphore(%run_scoped3A : memref<!tpu.dma_semaphore, #tpu.memory_space<semaphore_mem>>) src(%arg10 : memref<10240xf32, #tpu.memory_space<vmem>>) dst(%dma_wait3A_66 : memref<10240xf32, #tpu.memory_space<vmem_shared>>)
      tpu.yield
    }) : () -> ()
    %barrier3A = arith.constant 0 : index
    tpu.barrier barrier_id(%barrier3A)
    %mul3A_16 = arith.constant 640 : i32
    %mul3A_17 = arith.muli %arg1, %mul3A_16 : i32
    "tpu.region"() ({
      %run_scoped3A = tpu.sem_alloc : memref<!tpu.dma_semaphore, #tpu.memory_space<semaphore_mem>>
      %dma_start3A_55 = arith.constant 0 : i32
      %dma_start3A_56 = tpu.memref_slice %arg14[%dma_start3A_55, %mul3A_17] : memref<16x10240xf32, #tpu.memory_space<vmem_shared>> -> memref<16x640xf32, #tpu.memory_space<vmem_shared>>
      %dma_start3A_57 = arith.constant 0 : i32
      %dma_start3A_58 = tpu.memref_slice %arg14[%dma_start3A_57, %mul3A_17] : memref<16x10240xf32, #tpu.memory_space<vmem_shared>> -> memref<16x640xf32, #tpu.memory_space<vmem_shared>>
      tpu.enqueue_dma source(%dma_start3A_58 : memref<16x640xf32, #tpu.memory_space<vmem_shared>>) target(%arg11 : memref<16x640xf32, #tpu.memory_space<vmem>>) target_semaphore(%run_scoped3A : memref<!tpu.dma_semaphore, #tpu.memory_space<semaphore_mem>>)
      %dma_wait3A_59 = arith.constant 0 : i32
      %dma_wait3A_60 = tpu.memref_slice %arg14[%dma_wait3A_59, %mul3A_17] : memref<16x10240xf32, #tpu.memory_space<vmem_shared>> -> memref<16x640xf32, #tpu.memory_space<vmem_shared>>
      %dma_wait3A_61 = arith.constant 0 : i32
      %dma_wait3A_62 = tpu.memref_slice %arg14[%dma_wait3A_61, %mul3A_17] : memref<16x10240xf32, #tpu.memory_space<vmem_shared>> -> memref<16x640xf32, #tpu.memory_space<vmem_shared>>
      tpu.wait_dma2 semaphore(%run_scoped3A : memref<!tpu.dma_semaphore, #tpu.memory_space<semaphore_mem>>) src(%dma_wait3A_62 : memref<16x640xf32, #tpu.memory_space<vmem_shared>>) dst(%arg11 : memref<16x640xf32, #tpu.memory_space<vmem>>)
      tpu.yield
    }) : () -> ()
    %parallel_loop3A_18 = arith.constant 0 : i32
    %parallel_loop3A_19 = arith.constant 40 : i32
    %parallel_loop3A_20 = arith.constant 1 : i32
    scf.for %parallel_loop3A_55 = %parallel_loop3A_18 to %parallel_loop3A_19 step %parallel_loop3A_20  : i32 {
      %parallel_loop3A_56 = arith.constant 16 : i32
      %parallel_loop3A_57 = arith.muli %parallel_loop3A_55, %parallel_loop3A_56 : i32
      %parallel_loop3A_58 = arith.constant 0 : i32
      %parallel_loop3A_59 = arith.index_cast %parallel_loop3A_58 : i32 to index
      %parallel_loop3A_60 = arith.index_cast %parallel_loop3A_57 : i32 to index
      %parallel_loop3A_61 = tpu.vector_load %arg11[%parallel_loop3A_59, %parallel_loop3A_60] {strides = array<i32>} : memref<16x640xf32, #tpu.memory_space<vmem>>, vector<16xf32>,
      %parallel_loop3A_62 = arith.constant 1 : i32
      %parallel_loop3A_63 = arith.index_cast %parallel_loop3A_62 : i32 to index
      %parallel_loop3A_64 = arith.index_cast %parallel_loop3A_57 : i32 to index
      %parallel_loop3A_65 = tpu.vector_load %arg11[%parallel_loop3A_63, %parallel_loop3A_64] {strides = array<i32>} : memref<16x640xf32, #tpu.memory_space<vmem>>, vector<16xf32>,
      %parallel_loop3A_66 = arith.addf %parallel_loop3A_61, %parallel_loop3A_65 : vector<16xf32>
      %parallel_loop3A_67 = arith.constant 2 : i32
      %parallel_loop3A_68 = arith.index_cast %parallel_loop3A_67 : i32 to index
      %parallel_loop3A_69 = arith.index_cast %parallel_loop3A_57 : i32 to index
      %parallel_loop3A_70 = tpu.vector_load %arg11[%parallel_loop3A_68, %parallel_loop3A_69] {strides = array<i32>} : memref<16x640xf32, #tpu.memory_space<vmem>>, vector<16xf32>,
      %parallel_loop3A_71 = arith.addf %parallel_loop3A_66, %parallel_loop3A_70 : vector<16xf32>
      %parallel_loop3A_72 = arith.constant 3 : i32
      %parallel_loop3A_73 = arith.index_cast %parallel_loop3A_72 : i32 to index
      %parallel_loop3A_74 = arith.index_cast %parallel_loop3A_57 : i32 to index
      %parallel_loop3A_75 = tpu.vector_load %arg11[%parallel_loop3A_73, %parallel_loop3A_74] {strides = array<i32>} : memref<16x640xf32, #tpu.memory_space<vmem>>, vector<16xf32>,
      %parallel_loop3A_76 = arith.addf %parallel_loop3A_71, %parallel_loop3A_75 : vector<16xf32>
      %parallel_loop3A_77 = arith.constant 4 : i32
      %parallel_loop3A_78 = arith.index_cast %parallel_loop3A_77 : i32 to index
      %parallel_loop3A_79 = arith.index_cast %parallel_loop3A_57 : i32 to index
      %parallel_loop3A_80 = tpu.vector_load %arg11[%parallel_loop3A_78, %parallel_loop3A_79] {strides = array<i32>} : memref<16x640xf32, #tpu.memory_space<vmem>>, vector<16xf32>,
      %parallel_loop3A_81 = arith.addf %parallel_loop3A_76, %parallel_loop3A_80 : vector<16xf32>
      %parallel_loop3A_82 = arith.constant 5 : i32
      %parallel_loop3A_83 = arith.index_cast %parallel_loop3A_82 : i32 to index
      %parallel_loop3A_84 = arith.index_cast %parallel_loop3A_57 : i32 to index
      %parallel_loop3A_85 = tpu.vector_load %arg11[%parallel_loop3A_83, %parallel_loop3A_84] {strides = array<i32>} : memref<16x640xf32, #tpu.memory_space<vmem>>, vector<16xf32>,
      %parallel_loop3A_86 = arith.addf %parallel_loop3A_81, %parallel_loop3A_85 : vector<16xf32>
      %parallel_loop3A_87 = arith.constant 6 : i32
      %parallel_loop3A_88 = arith.index_cast %parallel_loop3A_87 : i32 to index
      %parallel_loop3A_89 = arith.index_cast %parallel_loop3A_57 : i32 to index
      %parallel_loop3A_90 = tpu.vector_load %arg11[%parallel_loop3A_88, %parallel_loop3A_89] {strides = array<i32>} : memref<16x640xf32, #tpu.memory_space<vmem>>, vector<16xf32>,
      %parallel_loop3A_91 = arith.addf %parallel_loop3A_86, %parallel_loop3A_90 : vector<16xf32>
      %parallel_loop3A_92 = arith.constant 7 : i32
      %parallel_loop3A_93 = arith.index_cast %parallel_loop3A_92 : i32 to index
      %parallel_loop3A_94 = arith.index_cast %parallel_loop3A_57 : i32 to index
      %parallel_loop3A_95 = tpu.vector_load %arg11[%parallel_loop3A_93, %parallel_loop3A_94] {strides = array<i32>} : memref<16x640xf32, #tpu.memory_space<vmem>>, vector<16xf32>,
      %parallel_loop3A_96 = arith.addf %parallel_loop3A_91, %parallel_loop3A_95 : vector<16xf32>
      %parallel_loop3A_97 = arith.constant 8 : i32
      %parallel_loop3A_98 = arith.index_cast %parallel_loop3A_97 : i32 to index
      %parallel_loop3A_99 = arith.index_cast %parallel_loop3A_57 : i32 to index
      %parallel_loop3A_100 = tpu.vector_load %arg11[%parallel_loop3A_98, %parallel_loop3A_99] {strides = array<i32>} : memref<16x640xf32, #tpu.memory_space<vmem>>, vector<16xf32>,
      %parallel_loop3A_101 = arith.addf %parallel_loop3A_96, %parallel_loop3A_100 : vector<16xf32>
      %parallel_loop3A_102 = arith.constant 9 : i32
      %parallel_loop3A_103 = arith.index_cast %parallel_loop3A_102 : i32 to index
      %parallel_loop3A_104 = arith.index_cast %parallel_loop3A_57 : i32 to index
      %parallel_loop3A_105 = tpu.vector_load %arg11[%parallel_loop3A_103, %parallel_loop3A_104] {strides = array<i32>} : memref<16x640xf32, #tpu.memory_space<vmem>>, vector<16xf32>,
      %parallel_loop3A_106 = arith.addf %parallel_loop3A_101, %parallel_loop3A_105 : vector<16xf32>
      %parallel_loop3A_107 = arith.constant 10 : i32
      %parallel_loop3A_108 = arith.index_cast %parallel_loop3A_107 : i32 to index
      %parallel_loop3A_109 = arith.index_cast %parallel_loop3A_57 : i32 to index
      %parallel_loop3A_110 = tpu.vector_load %arg11[%parallel_loop3A_108, %parallel_loop3A_109] {strides = array<i32>} : memref<16x640xf32, #tpu.memory_space<vmem>>, vector<16xf32>,
      %parallel_loop3A_111 = arith.addf %parallel_loop3A_106, %parallel_loop3A_110 : vector<16xf32>
      %parallel_loop3A_112 = arith.constant 11 : i32
      %parallel_loop3A_113 = arith.index_cast %parallel_loop3A_112 : i32 to index
      %parallel_loop3A_114 = arith.index_cast %parallel_loop3A_57 : i32 to index
      %parallel_loop3A_115 = tpu.vector_load %arg11[%parallel_loop3A_113, %parallel_loop3A_114] {strides = array<i32>} : memref<16x640xf32, #tpu.memory_space<vmem>>, vector<16xf32>,
      %parallel_loop3A_116 = arith.addf %parallel_loop3A_111, %parallel_loop3A_115 : vector<16xf32>
      %parallel_loop3A_117 = arith.constant 12 : i32
      %parallel_loop3A_118 = arith.index_cast %parallel_loop3A_117 : i32 to index
      %parallel_loop3A_119 = arith.index_cast %parallel_loop3A_57 : i32 to index
      %parallel_loop3A_120 = tpu.vector_load %arg11[%parallel_loop3A_118, %parallel_loop3A_119] {strides = array<i32>} : memref<16x640xf32, #tpu.memory_space<vmem>>, vector<16xf32>,
      %parallel_loop3A_121 = arith.addf %parallel_loop3A_116, %parallel_loop3A_120 : vector<16xf32>
      %parallel_loop3A_122 = arith.constant 13 : i32
      %parallel_loop3A_123 = arith.index_cast %parallel_loop3A_122 : i32 to index
      %parallel_loop3A_124 = arith.index_cast %parallel_loop3A_57 : i32 to index
      %parallel_loop3A_125 = tpu.vector_load %arg11[%parallel_loop3A_123, %parallel_loop3A_124] {strides = array<i32>} : memref<16x640xf32, #tpu.memory_space<vmem>>, vector<16xf32>,
      %parallel_loop3A_126 = arith.addf %parallel_loop3A_121, %parallel_loop3A_125 : vector<16xf32>
      %parallel_loop3A_127 = arith.constant 14 : i32
      %parallel_loop3A_128 = arith.index_cast %parallel_loop3A_127 : i32 to index
      %parallel_loop3A_129 = arith.index_cast %parallel_loop3A_57 : i32 to index
      %parallel_loop3A_130 = tpu.vector_load %arg11[%parallel_loop3A_128, %parallel_loop3A_129] {strides = array<i32>} : memref<16x640xf32, #tpu.memory_space<vmem>>, vector<16xf32>,
      %parallel_loop3A_131 = arith.addf %parallel_loop3A_126, %parallel_loop3A_130 : vector<16xf32>
      %parallel_loop3A_132 = arith.constant 15 : i32
      %parallel_loop3A_133 = arith.index_cast %parallel_loop3A_132 : i32 to index
      %parallel_loop3A_134 = arith.index_cast %parallel_loop3A_57 : i32 to index
      %parallel_loop3A_135 = tpu.vector_load %arg11[%parallel_loop3A_133, %parallel_loop3A_134] {strides = array<i32>} : memref<16x640xf32, #tpu.memory_space<vmem>>, vector<16xf32>,
      %parallel_loop3A_136 = arith.addf %parallel_loop3A_131, %parallel_loop3A_135 : vector<16xf32>
      %parallel_loop3A_137 = arith.constant 1.000000e+00 : f32
      %parallel_loop3A_138 = vector.broadcast %parallel_loop3A_137 : f32 to vector<16xf32>
      %parallel_loop3A_139 = arith.addf %parallel_loop3A_138, %parallel_loop3A_136 : vector<16xf32>
      %parallel_loop3A_140 = vector.bitcast %parallel_loop3A_139 : vector<16xf32> to vector<16xi32>
      %parallel_loop3A_141 = arith.constant 1 : i32
      %parallel_loop3A_142 = vector.broadcast %parallel_loop3A_141 : i32 to vector<16xi32>
      %parallel_loop3A_143 = arith.shrsi %parallel_loop3A_140, %parallel_loop3A_142 : vector<16xi32>
      %parallel_loop3A_144 = arith.constant 1597463007 : i32
      %parallel_loop3A_145 = vector.broadcast %parallel_loop3A_144 : i32 to vector<16xi32>
      %parallel_loop3A_146 = arith.subi %parallel_loop3A_145, %parallel_loop3A_143 : vector<16xi32>
      %parallel_loop3A_147 = vector.bitcast %parallel_loop3A_146 : vector<16xi32> to vector<16xf32>
      %parallel_loop3A_148 = arith.constant 5.000000e-01 : f32
      %parallel_loop3A_149 = vector.broadcast %parallel_loop3A_148 : f32 to vector<16xf32>
      %parallel_loop3A_150 = arith.mulf %parallel_loop3A_149, %parallel_loop3A_139 : vector<16xf32>
      %parallel_loop3A_151 = arith.mulf %parallel_loop3A_150, %parallel_loop3A_147 : vector<16xf32>
      %parallel_loop3A_152 = arith.mulf %parallel_loop3A_151, %parallel_loop3A_147 : vector<16xf32>
      %parallel_loop3A_153 = arith.constant 1.500000e+00 : f32
      %parallel_loop3A_154 = vector.broadcast %parallel_loop3A_153 : f32 to vector<16xf32>
      %parallel_loop3A_155 = arith.subf %parallel_loop3A_154, %parallel_loop3A_152 : vector<16xf32>
      %parallel_loop3A_156 = arith.mulf %parallel_loop3A_147, %parallel_loop3A_155 : vector<16xf32>
      %parallel_loop3A_157 = arith.constant 5.000000e-01 : f32
      %parallel_loop3A_158 = vector.broadcast %parallel_loop3A_157 : f32 to vector<16xf32>
      %parallel_loop3A_159 = arith.mulf %parallel_loop3A_158, %parallel_loop3A_139 : vector<16xf32>
      %parallel_loop3A_160 = arith.mulf %parallel_loop3A_159, %parallel_loop3A_156 : vector<16xf32>
      %parallel_loop3A_161 = arith.mulf %parallel_loop3A_160, %parallel_loop3A_156 : vector<16xf32>
      %parallel_loop3A_162 = arith.constant 1.500000e+00 : f32
      %parallel_loop3A_163 = vector.broadcast %parallel_loop3A_162 : f32 to vector<16xf32>
      %parallel_loop3A_164 = arith.subf %parallel_loop3A_163, %parallel_loop3A_161 : vector<16xf32>
      %parallel_loop3A_165 = arith.mulf %parallel_loop3A_156, %parallel_loop3A_164 : vector<16xf32>
      %parallel_loop3A_166 = arith.constant 5.000000e-01 : f32
      %parallel_loop3A_167 = vector.broadcast %parallel_loop3A_166 : f32 to vector<16xf32>
      %parallel_loop3A_168 = arith.mulf %parallel_loop3A_167, %parallel_loop3A_139 : vector<16xf32>
      %parallel_loop3A_169 = arith.mulf %parallel_loop3A_168, %parallel_loop3A_165 : vector<16xf32>
      %parallel_loop3A_170 = arith.mulf %parallel_loop3A_169, %parallel_loop3A_165 : vector<16xf32>
      %parallel_loop3A_171 = arith.constant 1.500000e+00 : f32
      %parallel_loop3A_172 = vector.broadcast %parallel_loop3A_171 : f32 to vector<16xf32>
      %parallel_loop3A_173 = arith.subf %parallel_loop3A_172, %parallel_loop3A_170 : vector<16xf32>
      %parallel_loop3A_174 = arith.mulf %parallel_loop3A_165, %parallel_loop3A_173 : vector<16xf32>
      %parallel_loop3A_175 = arith.constant 16 : i32
      %parallel_loop3A_176 = arith.muli %parallel_loop3A_55, %parallel_loop3A_175 : i32
      %parallel_loop3A_177 = arith.index_cast %parallel_loop3A_176 : i32 to index
      %parallel_loop3A_178 = tpu.vector_load %arg12[%parallel_loop3A_177] {strides = array<i32>} : memref<640xf32, #tpu.memory_space<vmem>>, vector<16xf32>,
      tpu.vector_store %arg12[%parallel_loop3A_177], %parallel_loop3A_174 {strides = array<i32>} : memref<640xf32, #tpu.memory_space<vmem>>, vector<16xf32>,
    } {sc.loop_unroll_factor = 2 : i64, sc.parallel_access}
    %mul3A_21 = arith.constant 640 : i32
    %mul3A_22 = arith.muli %arg1, %mul3A_21 : i32
    "tpu.region"() ({
      %run_scoped3A = tpu.sem_alloc : memref<!tpu.dma_semaphore, #tpu.memory_space<semaphore_mem>>
      %dma_start3A_55 = tpu.memref_slice %arg15[%mul3A_22] : memref<10240xf32, #tpu.memory_space<vmem_shared>> -> memref<640xf32, #tpu.memory_space<vmem_shared>>
      %dma_start3A_56 = tpu.memref_slice %arg15[%mul3A_22] : memref<10240xf32, #tpu.memory_space<vmem_shared>> -> memref<640xf32, #tpu.memory_space<vmem_shared>>
      tpu.enqueue_dma source(%arg12 : memref<640xf32, #tpu.memory_space<vmem>>) target(%dma_start3A_56 : memref<640xf32, #tpu.memory_space<vmem_shared>>) target_semaphore(%run_scoped3A : memref<!tpu.dma_semaphore, #tpu.memory_space<semaphore_mem>>)
      %dma_wait3A_57 = tpu.memref_slice %arg15[%mul3A_22] : memref<10240xf32, #tpu.memory_space<vmem_shared>> -> memref<640xf32, #tpu.memory_space<vmem_shared>>
      %dma_wait3A_58 = tpu.memref_slice %arg15[%mul3A_22] : memref<10240xf32, #tpu.memory_space<vmem_shared>> -> memref<640xf32, #tpu.memory_space<vmem_shared>>
      tpu.wait_dma2 semaphore(%run_scoped3A : memref<!tpu.dma_semaphore, #tpu.memory_space<semaphore_mem>>) src(%arg12 : memref<640xf32, #tpu.memory_space<vmem>>) dst(%dma_wait3A_58 : memref<640xf32, #tpu.memory_space<vmem_shared>>)
      tpu.yield
    }) : () -> ()
    %barrier3A_23 = arith.constant 0 : index
    tpu.barrier barrier_id(%barrier3A_23)
    "tpu.region"() ({
      %run_scoped3A = tpu.sem_alloc : memref<!tpu.dma_semaphore, #tpu.memory_space<semaphore_mem>>
      tpu.enqueue_dma source(%arg15 : memref<10240xf32, #tpu.memory_space<vmem_shared>>) target(%arg8 : memref<10240xf32, #tpu.memory_space<vmem>>) target_semaphore(%run_scoped3A : memref<!tpu.dma_semaphore, #tpu.memory_space<semaphore_mem>>)
      tpu.wait_dma2 semaphore(%run_scoped3A : memref<!tpu.dma_semaphore, #tpu.memory_space<semaphore_mem>>) src(%arg15 : memref<10240xf32, #tpu.memory_space<vmem_shared>>) dst(%arg8 : memref<10240xf32, #tpu.memory_space<vmem>>)
      tpu.yield
    }) : () -> ()
    %parallel_loop3A_24 = arith.constant 0 : i32
    %parallel_loop3A_25 = arith.constant 640 : i32
    %parallel_loop3A_26 = arith.constant 1 : i32
    scf.for %parallel_loop3A_55 = %parallel_loop3A_24 to %parallel_loop3A_25 step %parallel_loop3A_26  : i32 {
      %parallel_loop3A_56 = arith.constant 0.000000e+00 : f32
      %parallel_loop3A_57 = vector.broadcast %parallel_loop3A_56 : f32 to vector<16xf32>
      %parallel_loop3A_58 = arith.constant 16 : i32
      %parallel_loop3A_59 = arith.muli %parallel_loop3A_55, %parallel_loop3A_58 : i32
      %parallel_loop3A_60 = arith.index_cast %parallel_loop3A_59 : i32 to index
      %parallel_loop3A_61 = tpu.vector_load %arg10[%parallel_loop3A_60] {strides = array<i32>} : memref<10240xf32, #tpu.memory_space<vmem>>, vector<16xf32>,
      tpu.vector_store %arg10[%parallel_loop3A_60], %parallel_loop3A_57 {strides = array<i32>} : memref<10240xf32, #tpu.memory_space<vmem>>, vector<16xf32>,
    } {sc.loop_unroll_factor = 4 : i64, sc.parallel_access}
    %parallel_loop3A_27 = arith.constant 0 : i32
    %parallel_loop3A_28 = arith.constant 1250 : i32
    %parallel_loop3A_29 = arith.constant 1 : i32
    scf.for %parallel_loop3A_55 = %parallel_loop3A_27 to %parallel_loop3A_28 step %parallel_loop3A_29  : i32 {
      %parallel_loop3A_56 = arith.constant 16 : i32
      %parallel_loop3A_57 = arith.muli %parallel_loop3A_55, %parallel_loop3A_56 : i32
      %parallel_loop3A_58 = arith.index_cast %parallel_loop3A_57 : i32 to index
      %parallel_loop3A_59 = tpu.vector_load %arg6[%parallel_loop3A_58] {strides = array<i32>} : memref<20000xi32, #tpu.memory_space<vmem>>, vector<16xi32>,
      %parallel_loop3A_60 = arith.constant 65535 : i32
      %parallel_loop3A_61 = vector.broadcast %parallel_loop3A_60 : i32 to vector<16xi32>
      %parallel_loop3A_62 = arith.andi %parallel_loop3A_59, %parallel_loop3A_61 : vector<16xi32>
      %parallel_loop3A_63 = tpu.vector_load_idx %arg8[%parallel_loop3A_62] : memref<10240xf32, #tpu.memory_space<vmem>>[vector<16xi32>], vector<16xf32>,
      %parallel_loop3A_64 = arith.constant 16 : i32
      %parallel_loop3A_65 = vector.broadcast %parallel_loop3A_64 : i32 to vector<16xi32>
      %parallel_loop3A_66 = arith.shrui %parallel_loop3A_59, %parallel_loop3A_65 : vector<16xi32>
      tpu.vector_store_idx %arg10[%parallel_loop3A_66], %parallel_loop3A_63 {add = true} : memref<10240xf32, #tpu.memory_space<vmem>>[vector<16xi32>], vector<16xf32>,
    } {sc.loop_unroll_factor = 4 : i64, sc.parallel_access}
    "tpu.region"() ({
      %run_scoped3A = tpu.sem_alloc : memref<!tpu.dma_semaphore, #tpu.memory_space<semaphore_mem>>
      %dma_start3A_55 = arith.constant 0 : i32
      %dma_start3A_56 = tpu.memref_slice %arg14[%arg1, %dma_start3A_55] : memref<16x10240xf32, #tpu.memory_space<vmem_shared>> -> memref<1x10240xf32, #tpu.memory_space<vmem_shared>>
      %dma_start3A_57 = tpu.memref_squeeze %dma_start3A_56 : memref<1x10240xf32, #tpu.memory_space<vmem_shared>> -> memref<10240xf32, #tpu.memory_space<vmem_shared>>
      %dma_start3A_58 = arith.constant 0 : i32
      %dma_start3A_59 = tpu.memref_slice %arg14[%arg1, %dma_start3A_58] : memref<16x10240xf32, #tpu.memory_space<vmem_shared>> -> memref<1x10240xf32, #tpu.memory_space<vmem_shared>>
      %dma_start3A_60 = tpu.memref_squeeze %dma_start3A_59 : memref<1x10240xf32, #tpu.memory_space<vmem_shared>> -> memref<10240xf32, #tpu.memory_space<vmem_shared>>
      tpu.enqueue_dma source(%arg10 : memref<10240xf32, #tpu.memory_space<vmem>>) target(%dma_start3A_60 : memref<10240xf32, #tpu.memory_space<vmem_shared>>) target_semaphore(%run_scoped3A : memref<!tpu.dma_semaphore, #tpu.memory_space<semaphore_mem>>)
      %dma_wait3A_61 = arith.constant 0 : i32
      %dma_wait3A_62 = tpu.memref_slice %arg14[%arg1, %dma_wait3A_61] : memref<16x10240xf32, #tpu.memory_space<vmem_shared>> -> memref<1x10240xf32, #tpu.memory_space<vmem_shared>>
      %dma_wait3A_63 = tpu.memref_squeeze %dma_wait3A_62 : memref<1x10240xf32, #tpu.memory_space<vmem_shared>> -> memref<10240xf32, #tpu.memory_space<vmem_shared>>
      %dma_wait3A_64 = arith.constant 0 : i32
      %dma_wait3A_65 = tpu.memref_slice %arg14[%arg1, %dma_wait3A_64] : memref<16x10240xf32, #tpu.memory_space<vmem_shared>> -> memref<1x10240xf32, #tpu.memory_space<vmem_shared>>
      %dma_wait3A_66 = tpu.memref_squeeze %dma_wait3A_65 : memref<1x10240xf32, #tpu.memory_space<vmem_shared>> -> memref<10240xf32, #tpu.memory_space<vmem_shared>>
      tpu.wait_dma2 semaphore(%run_scoped3A : memref<!tpu.dma_semaphore, #tpu.memory_space<semaphore_mem>>) src(%arg10 : memref<10240xf32, #tpu.memory_space<vmem>>) dst(%dma_wait3A_66 : memref<10240xf32, #tpu.memory_space<vmem_shared>>)
      tpu.yield
    }) : () -> ()
    %barrier3A_30 = arith.constant 0 : index
    tpu.barrier barrier_id(%barrier3A_30)
    %mul3A_31 = arith.constant 640 : i32
    %mul3A_32 = arith.muli %arg1, %mul3A_31 : i32
    "tpu.region"() ({
      %run_scoped3A = tpu.sem_alloc : memref<!tpu.dma_semaphore, #tpu.memory_space<semaphore_mem>>
      %dma_start3A_55 = arith.constant 0 : i32
      %dma_start3A_56 = tpu.memref_slice %arg14[%dma_start3A_55, %mul3A_32] : memref<16x10240xf32, #tpu.memory_space<vmem_shared>> -> memref<16x640xf32, #tpu.memory_space<vmem_shared>>
      %dma_start3A_57 = arith.constant 0 : i32
      %dma_start3A_58 = tpu.memref_slice %arg14[%dma_start3A_57, %mul3A_32] : memref<16x10240xf32, #tpu.memory_space<vmem_shared>> -> memref<16x640xf32, #tpu.memory_space<vmem_shared>>
      tpu.enqueue_dma source(%dma_start3A_58 : memref<16x640xf32, #tpu.memory_space<vmem_shared>>) target(%arg11 : memref<16x640xf32, #tpu.memory_space<vmem>>) target_semaphore(%run_scoped3A : memref<!tpu.dma_semaphore, #tpu.memory_space<semaphore_mem>>)
      %dma_wait3A_59 = arith.constant 0 : i32
      %dma_wait3A_60 = tpu.memref_slice %arg14[%dma_wait3A_59, %mul3A_32] : memref<16x10240xf32, #tpu.memory_space<vmem_shared>> -> memref<16x640xf32, #tpu.memory_space<vmem_shared>>
      %dma_wait3A_61 = arith.constant 0 : i32
      %dma_wait3A_62 = tpu.memref_slice %arg14[%dma_wait3A_61, %mul3A_32] : memref<16x10240xf32, #tpu.memory_space<vmem_shared>> -> memref<16x640xf32, #tpu.memory_space<vmem_shared>>
      tpu.wait_dma2 semaphore(%run_scoped3A : memref<!tpu.dma_semaphore, #tpu.memory_space<semaphore_mem>>) src(%dma_wait3A_62 : memref<16x640xf32, #tpu.memory_space<vmem_shared>>) dst(%arg11 : memref<16x640xf32, #tpu.memory_space<vmem>>)
      tpu.yield
    }) : () -> ()
    %iota3A = tpu.iota {dimensions = array<i32: 0>} : vector<16xi32>
    %parallel_loop3A_33 = arith.constant 0 : i32
    %parallel_loop3A_34 = arith.constant 40 : i32
    %parallel_loop3A_35 = arith.constant 1 : i32
    scf.for %parallel_loop3A_55 = %parallel_loop3A_33 to %parallel_loop3A_34 step %parallel_loop3A_35  : i32 {
      %parallel_loop3A_56 = arith.constant 16 : i32
      %parallel_loop3A_57 = arith.muli %parallel_loop3A_55, %parallel_loop3A_56 : i32
      %parallel_loop3A_58 = arith.constant 16 : i32
      %parallel_loop3A_59 = arith.muli %parallel_loop3A_55, %parallel_loop3A_58 : i32
      %parallel_loop3A_60 = arith.constant 0 : i32
      %parallel_loop3A_61 = arith.index_cast %parallel_loop3A_60 : i32 to index
      %parallel_loop3A_62 = arith.index_cast %parallel_loop3A_59 : i32 to index
      %parallel_loop3A_63 = tpu.vector_load %arg11[%parallel_loop3A_61, %parallel_loop3A_62] {strides = array<i32>} : memref<16x640xf32, #tpu.memory_space<vmem>>, vector<16xf32>,
      %parallel_loop3A_64 = arith.constant 1 : i32
      %parallel_loop3A_65 = arith.index_cast %parallel_loop3A_64 : i32 to index
      %parallel_loop3A_66 = arith.index_cast %parallel_loop3A_59 : i32 to index
      %parallel_loop3A_67 = tpu.vector_load %arg11[%parallel_loop3A_65, %parallel_loop3A_66] {strides = array<i32>} : memref<16x640xf32, #tpu.memory_space<vmem>>, vector<16xf32>,
      %parallel_loop3A_68 = arith.addf %parallel_loop3A_63, %parallel_loop3A_67 : vector<16xf32>
      %parallel_loop3A_69 = arith.constant 2 : i32
      %parallel_loop3A_70 = arith.index_cast %parallel_loop3A_69 : i32 to index
      %parallel_loop3A_71 = arith.index_cast %parallel_loop3A_59 : i32 to index
      %parallel_loop3A_72 = tpu.vector_load %arg11[%parallel_loop3A_70, %parallel_loop3A_71] {strides = array<i32>} : memref<16x640xf32, #tpu.memory_space<vmem>>, vector<16xf32>,
      %parallel_loop3A_73 = arith.addf %parallel_loop3A_68, %parallel_loop3A_72 : vector<16xf32>
      %parallel_loop3A_74 = arith.constant 3 : i32
      %parallel_loop3A_75 = arith.index_cast %parallel_loop3A_74 : i32 to index
      %parallel_loop3A_76 = arith.index_cast %parallel_loop3A_59 : i32 to index
      %parallel_loop3A_77 = tpu.vector_load %arg11[%parallel_loop3A_75, %parallel_loop3A_76] {strides = array<i32>} : memref<16x640xf32, #tpu.memory_space<vmem>>, vector<16xf32>,
      %parallel_loop3A_78 = arith.addf %parallel_loop3A_73, %parallel_loop3A_77 : vector<16xf32>
      %parallel_loop3A_79 = arith.constant 4 : i32
      %parallel_loop3A_80 = arith.index_cast %parallel_loop3A_79 : i32 to index
      %parallel_loop3A_81 = arith.index_cast %parallel_loop3A_59 : i32 to index
      %parallel_loop3A_82 = tpu.vector_load %arg11[%parallel_loop3A_80, %parallel_loop3A_81] {strides = array<i32>} : memref<16x640xf32, #tpu.memory_space<vmem>>, vector<16xf32>,
      %parallel_loop3A_83 = arith.addf %parallel_loop3A_78, %parallel_loop3A_82 : vector<16xf32>
      %parallel_loop3A_84 = arith.constant 5 : i32
      %parallel_loop3A_85 = arith.index_cast %parallel_loop3A_84 : i32 to index
      %parallel_loop3A_86 = arith.index_cast %parallel_loop3A_59 : i32 to index
      %parallel_loop3A_87 = tpu.vector_load %arg11[%parallel_loop3A_85, %parallel_loop3A_86] {strides = array<i32>} : memref<16x640xf32, #tpu.memory_space<vmem>>, vector<16xf32>,
      %parallel_loop3A_88 = arith.addf %parallel_loop3A_83, %parallel_loop3A_87 : vector<16xf32>
      %parallel_loop3A_89 = arith.constant 6 : i32
      %parallel_loop3A_90 = arith.index_cast %parallel_loop3A_89 : i32 to index
      %parallel_loop3A_91 = arith.index_cast %parallel_loop3A_59 : i32 to index
      %parallel_loop3A_92 = tpu.vector_load %arg11[%parallel_loop3A_90, %parallel_loop3A_91] {strides = array<i32>} : memref<16x640xf32, #tpu.memory_space<vmem>>, vector<16xf32>,
      %parallel_loop3A_93 = arith.addf %parallel_loop3A_88, %parallel_loop3A_92 : vector<16xf32>
      %parallel_loop3A_94 = arith.constant 7 : i32
      %parallel_loop3A_95 = arith.index_cast %parallel_loop3A_94 : i32 to index
      %parallel_loop3A_96 = arith.index_cast %parallel_loop3A_59 : i32 to index
      %parallel_loop3A_97 = tpu.vector_load %arg11[%parallel_loop3A_95, %parallel_loop3A_96] {strides = array<i32>} : memref<16x640xf32, #tpu.memory_space<vmem>>, vector<16xf32>,
      %parallel_loop3A_98 = arith.addf %parallel_loop3A_93, %parallel_loop3A_97 : vector<16xf32>
      %parallel_loop3A_99 = arith.constant 8 : i32
      %parallel_loop3A_100 = arith.index_cast %parallel_loop3A_99 : i32 to index
      %parallel_loop3A_101 = arith.index_cast %parallel_loop3A_59 : i32 to index
      %parallel_loop3A_102 = tpu.vector_load %arg11[%parallel_loop3A_100, %parallel_loop3A_101] {strides = array<i32>} : memref<16x640xf32, #tpu.memory_space<vmem>>, vector<16xf32>,
      %parallel_loop3A_103 = arith.addf %parallel_loop3A_98, %parallel_loop3A_102 : vector<16xf32>
      %parallel_loop3A_104 = arith.constant 9 : i32
      %parallel_loop3A_105 = arith.index_cast %parallel_loop3A_104 : i32 to index
      %parallel_loop3A_106 = arith.index_cast %parallel_loop3A_59 : i32 to index
      %parallel_loop3A_107 = tpu.vector_load %arg11[%parallel_loop3A_105, %parallel_loop3A_106] {strides = array<i32>} : memref<16x640xf32, #tpu.memory_space<vmem>>, vector<16xf32>,
      %parallel_loop3A_108 = arith.addf %parallel_loop3A_103, %parallel_loop3A_107 : vector<16xf32>
      %parallel_loop3A_109 = arith.constant 10 : i32
      %parallel_loop3A_110 = arith.index_cast %parallel_loop3A_109 : i32 to index
      %parallel_loop3A_111 = arith.index_cast %parallel_loop3A_59 : i32 to index
      %parallel_loop3A_112 = tpu.vector_load %arg11[%parallel_loop3A_110, %parallel_loop3A_111] {strides = array<i32>} : memref<16x640xf32, #tpu.memory_space<vmem>>, vector<16xf32>,
      %parallel_loop3A_113 = arith.addf %parallel_loop3A_108, %parallel_loop3A_112 : vector<16xf32>
      %parallel_loop3A_114 = arith.constant 11 : i32
      %parallel_loop3A_115 = arith.index_cast %parallel_loop3A_114 : i32 to index
      %parallel_loop3A_116 = arith.index_cast %parallel_loop3A_59 : i32 to index
      %parallel_loop3A_117 = tpu.vector_load %arg11[%parallel_loop3A_115, %parallel_loop3A_116] {strides = array<i32>} : memref<16x640xf32, #tpu.memory_space<vmem>>, vector<16xf32>,
      %parallel_loop3A_118 = arith.addf %parallel_loop3A_113, %parallel_loop3A_117 : vector<16xf32>
      %parallel_loop3A_119 = arith.constant 12 : i32
      %parallel_loop3A_120 = arith.index_cast %parallel_loop3A_119 : i32 to index
      %parallel_loop3A_121 = arith.index_cast %parallel_loop3A_59 : i32 to index
      %parallel_loop3A_122 = tpu.vector_load %arg11[%parallel_loop3A_120, %parallel_loop3A_121] {strides = array<i32>} : memref<16x640xf32, #tpu.memory_space<vmem>>, vector<16xf32>,
      %parallel_loop3A_123 = arith.addf %parallel_loop3A_118, %parallel_loop3A_122 : vector<16xf32>
      %parallel_loop3A_124 = arith.constant 13 : i32
      %parallel_loop3A_125 = arith.index_cast %parallel_loop3A_124 : i32 to index
      %parallel_loop3A_126 = arith.index_cast %parallel_loop3A_59 : i32 to index
      %parallel_loop3A_127 = tpu.vector_load %arg11[%parallel_loop3A_125, %parallel_loop3A_126] {strides = array<i32>} : memref<16x640xf32, #tpu.memory_space<vmem>>, vector<16xf32>,
      %parallel_loop3A_128 = arith.addf %parallel_loop3A_123, %parallel_loop3A_127 : vector<16xf32>
      %parallel_loop3A_129 = arith.constant 14 : i32
      %parallel_loop3A_130 = arith.index_cast %parallel_loop3A_129 : i32 to index
      %parallel_loop3A_131 = arith.index_cast %parallel_loop3A_59 : i32 to index
      %parallel_loop3A_132 = tpu.vector_load %arg11[%parallel_loop3A_130, %parallel_loop3A_131] {strides = array<i32>} : memref<16x640xf32, #tpu.memory_space<vmem>>, vector<16xf32>,
      %parallel_loop3A_133 = arith.addf %parallel_loop3A_128, %parallel_loop3A_132 : vector<16xf32>
      %parallel_loop3A_134 = arith.constant 15 : i32
      %parallel_loop3A_135 = arith.index_cast %parallel_loop3A_134 : i32 to index
      %parallel_loop3A_136 = arith.index_cast %parallel_loop3A_59 : i32 to index
      %parallel_loop3A_137 = tpu.vector_load %arg11[%parallel_loop3A_135, %parallel_loop3A_136] {strides = array<i32>} : memref<16x640xf32, #tpu.memory_space<vmem>>, vector<16xf32>,
      %parallel_loop3A_138 = arith.addf %parallel_loop3A_133, %parallel_loop3A_137 : vector<16xf32>
      %parallel_loop3A_139 = arith.constant 640 : i32
      %parallel_loop3A_140 = arith.muli %arg1, %parallel_loop3A_139 : i32
      %parallel_loop3A_141 = arith.addi %parallel_loop3A_140, %parallel_loop3A_57 : i32
      %parallel_loop3A_142 = arith.index_cast %parallel_loop3A_141 : i32 to index
      %parallel_loop3A_143 = tpu.vector_load %arg8[%parallel_loop3A_142] {strides = array<i32>} : memref<10240xf32, #tpu.memory_space<vmem>>, vector<16xf32>,
      %parallel_loop3A_144 = arith.constant 640 : i32
      %parallel_loop3A_145 = arith.muli %arg1, %parallel_loop3A_144 : i32
      %parallel_loop3A_146 = arith.addi %parallel_loop3A_145, %parallel_loop3A_57 : i32
      %parallel_loop3A_147 = vector.broadcast %parallel_loop3A_146 : i32 to vector<16xi32>
      %parallel_loop3A_148 = arith.addi %parallel_loop3A_147, %iota3A : vector<16xi32>
      %parallel_loop3A_149 = arith.constant 10000 : i32
      %parallel_loop3A_150 = vector.broadcast %parallel_loop3A_149 : i32 to vector<16xi32>
      %parallel_loop3A_151 = arith.cmpi slt, %parallel_loop3A_148, %parallel_loop3A_150 : vector<16xi32>
      %parallel_loop3A_152 = arith.addf %parallel_loop3A_143, %parallel_loop3A_138 : vector<16xf32>
      %parallel_loop3A_153 = arith.mulf %parallel_loop3A_143, %parallel_loop3A_152 : vector<16xf32>
      %parallel_loop3A_154 = arith.constant 0.000000e+00 : f32
      %parallel_loop3A_155 = vector.broadcast %parallel_loop3A_154 : f32 to vector<16xf32>
      %parallel_loop3A_156 = arith.select %parallel_loop3A_151, %parallel_loop3A_153, %parallel_loop3A_155 : vector<16xi1>, vector<16xf32>
      %parallel_loop3A_157 = arith.index_cast %parallel_loop3A_57 : i32 to index
      %parallel_loop3A_158 = tpu.vector_load %arg12[%parallel_loop3A_157] {strides = array<i32>} : memref<640xf32, #tpu.memory_space<vmem>>, vector<16xf32>,
      tpu.vector_store %arg12[%parallel_loop3A_157], %parallel_loop3A_156 {strides = array<i32>} : memref<640xf32, #tpu.memory_space<vmem>>, vector<16xf32>,
      %parallel_loop3A_159 = arith.mulf %parallel_loop3A_143, %parallel_loop3A_156 : vector<16xf32>
      %parallel_loop3A_160 = arith.index_cast %parallel_loop3A_57 : i32 to index
      %parallel_loop3A_161 = tpu.vector_load %arg13[%parallel_loop3A_160] {strides = array<i32>} : memref<640xf32, #tpu.memory_space<vmem>>, vector<16xf32>,
      tpu.vector_store %arg13[%parallel_loop3A_160], %parallel_loop3A_159 {strides = array<i32>} : memref<640xf32, #tpu.memory_space<vmem>>, vector<16xf32>,
    } {sc.loop_unroll_factor = 2 : i64, sc.parallel_access}
    %convert_element_type3A = arith.extui %eq3A_0 : i1 to i32
    %cond3A = arith.constant 0 : i32
    %cond3A_36 = arith.cmpi ne, %convert_element_type3A, %cond3A : i32
    scf.if %cond3A_36 {
      %mul3A_55 = arith.constant 640 : i32
      %mul3A_56 = arith.muli %arg1, %mul3A_55 : i32
      "tpu.region"() ({
        %run_scoped3A = tpu.sem_alloc : memref<!tpu.dma_semaphore, #tpu.memory_space<semaphore_mem>>
        %dma_start3A_57 = tpu.memref_slice %arg3[%mul3A_56] : memref<10240xf32, #tpu.memory_space<hbm>> -> memref<640xf32, #tpu.memory_space<hbm>>
        %dma_start3A_58 = tpu.memref_slice %arg3[%mul3A_56] : memref<10240xf32, #tpu.memory_space<hbm>> -> memref<640xf32, #tpu.memory_space<hbm>>
        tpu.enqueue_dma source(%arg12 : memref<640xf32, #tpu.memory_space<vmem>>) target(%dma_start3A_58 : memref<640xf32, #tpu.memory_space<hbm>>) target_semaphore(%run_scoped3A : memref<!tpu.dma_semaphore, #tpu.memory_space<semaphore_mem>>)
        %dma_wait3A_59 = tpu.memref_slice %arg3[%mul3A_56] : memref<10240xf32, #tpu.memory_space<hbm>> -> memref<640xf32, #tpu.memory_space<hbm>>
        %dma_wait3A_60 = tpu.memref_slice %arg3[%mul3A_56] : memref<10240xf32, #tpu.memory_space<hbm>> -> memref<640xf32, #tpu.memory_space<hbm>>
        tpu.wait_dma2 semaphore(%run_scoped3A : memref<!tpu.dma_semaphore, #tpu.memory_space<semaphore_mem>>) src(%arg12 : memref<640xf32, #tpu.memory_space<vmem>>) dst(%dma_wait3A_60 : memref<640xf32, #tpu.memory_space<hbm>>)
        tpu.yield
      }) : () -> ()
    } else {
    }
    %mul3A_37 = arith.constant 640 : i32
    %mul3A_38 = arith.muli %arg1, %mul3A_37 : i32
    "tpu.region"() ({
      %run_scoped3A = tpu.sem_alloc : memref<!tpu.dma_semaphore, #tpu.memory_space<semaphore_mem>>
      %dma_start3A_55 = tpu.memref_slice %arg15[%mul3A_38] : memref<10240xf32, #tpu.memory_space<vmem_shared>> -> memref<640xf32, #tpu.memory_space<vmem_shared>>
      %dma_start3A_56 = tpu.memref_slice %arg15[%mul3A_38] : memref<10240xf32, #tpu.memory_space<vmem_shared>> -> memref<640xf32, #tpu.memory_space<vmem_shared>>
      tpu.enqueue_dma source(%arg13 : memref<640xf32, #tpu.memory_space<vmem>>) target(%dma_start3A_56 : memref<640xf32, #tpu.memory_space<vmem_shared>>) target_semaphore(%run_scoped3A : memref<!tpu.dma_semaphore, #tpu.memory_space<semaphore_mem>>)
      %dma_wait3A_57 = tpu.memref_slice %arg15[%mul3A_38] : memref<10240xf32, #tpu.memory_space<vmem_shared>> -> memref<640xf32, #tpu.memory_space<vmem_shared>>
      %dma_wait3A_58 = tpu.memref_slice %arg15[%mul3A_38] : memref<10240xf32, #tpu.memory_space<vmem_shared>> -> memref<640xf32, #tpu.memory_space<vmem_shared>>
      tpu.wait_dma2 semaphore(%run_scoped3A : memref<!tpu.dma_semaphore, #tpu.memory_space<semaphore_mem>>) src(%arg13 : memref<640xf32, #tpu.memory_space<vmem>>) dst(%dma_wait3A_58 : memref<640xf32, #tpu.memory_space<vmem_shared>>)
      tpu.yield
    }) : () -> ()
    %barrier3A_39 = arith.constant 0 : index
    tpu.barrier barrier_id(%barrier3A_39)
    "tpu.region"() ({
      %run_scoped3A = tpu.sem_alloc : memref<!tpu.dma_semaphore, #tpu.memory_space<semaphore_mem>>
      tpu.enqueue_dma source(%arg15 : memref<10240xf32, #tpu.memory_space<vmem_shared>>) target(%arg9 : memref<10240xf32, #tpu.memory_space<vmem>>) target_semaphore(%run_scoped3A : memref<!tpu.dma_semaphore, #tpu.memory_space<semaphore_mem>>)
      tpu.wait_dma2 semaphore(%run_scoped3A : memref<!tpu.dma_semaphore, #tpu.memory_space<semaphore_mem>>) src(%arg15 : memref<10240xf32, #tpu.memory_space<vmem_shared>>) dst(%arg9 : memref<10240xf32, #tpu.memory_space<vmem>>)
      tpu.yield
    }) : () -> ()
    %parallel_loop3A_40 = arith.constant 0 : i32
    %parallel_loop3A_41 = arith.constant 640 : i32
    %parallel_loop3A_42 = arith.constant 1 : i32
    scf.for %parallel_loop3A_55 = %parallel_loop3A_40 to %parallel_loop3A_41 step %parallel_loop3A_42  : i32 {
      %parallel_loop3A_56 = arith.constant 0.000000e+00 : f32
      %parallel_loop3A_57 = vector.broadcast %parallel_loop3A_56 : f32 to vector<16xf32>
      %parallel_loop3A_58 = arith.constant 16 : i32
      %parallel_loop3A_59 = arith.muli %parallel_loop3A_55, %parallel_loop3A_58 : i32
      %parallel_loop3A_60 = arith.index_cast %parallel_loop3A_59 : i32 to index
      %parallel_loop3A_61 = tpu.vector_load %arg10[%parallel_loop3A_60] {strides = array<i32>} : memref<10240xf32, #tpu.memory_space<vmem>>, vector<16xf32>,
      tpu.vector_store %arg10[%parallel_loop3A_60], %parallel_loop3A_57 {strides = array<i32>} : memref<10240xf32, #tpu.memory_space<vmem>>, vector<16xf32>,
    } {sc.loop_unroll_factor = 4 : i64, sc.parallel_access}
    %parallel_loop3A_43 = arith.constant 0 : i32
    %parallel_loop3A_44 = arith.constant 1250 : i32
    %parallel_loop3A_45 = arith.constant 1 : i32
    scf.for %parallel_loop3A_55 = %parallel_loop3A_43 to %parallel_loop3A_44 step %parallel_loop3A_45  : i32 {
      %parallel_loop3A_56 = arith.constant 16 : i32
      %parallel_loop3A_57 = arith.muli %parallel_loop3A_55, %parallel_loop3A_56 : i32
      %parallel_loop3A_58 = arith.index_cast %parallel_loop3A_57 : i32 to index
      %parallel_loop3A_59 = tpu.vector_load %arg6[%parallel_loop3A_58] {strides = array<i32>} : memref<20000xi32, #tpu.memory_space<vmem>>, vector<16xi32>,
      %parallel_loop3A_60 = arith.constant 65535 : i32
      %parallel_loop3A_61 = vector.broadcast %parallel_loop3A_60 : i32 to vector<16xi32>
      %parallel_loop3A_62 = arith.andi %parallel_loop3A_59, %parallel_loop3A_61 : vector<16xi32>
      %parallel_loop3A_63 = tpu.vector_load_idx %arg9[%parallel_loop3A_62] : memref<10240xf32, #tpu.memory_space<vmem>>[vector<16xi32>], vector<16xf32>,
      %parallel_loop3A_64 = arith.constant 16 : i32
      %parallel_loop3A_65 = vector.broadcast %parallel_loop3A_64 : i32 to vector<16xi32>
      %parallel_loop3A_66 = arith.shrui %parallel_loop3A_59, %parallel_loop3A_65 : vector<16xi32>
      tpu.vector_store_idx %arg10[%parallel_loop3A_66], %parallel_loop3A_63 {add = true} : memref<10240xf32, #tpu.memory_space<vmem>>[vector<16xi32>], vector<16xf32>,
    } {sc.loop_unroll_factor = 4 : i64, sc.parallel_access}
    "tpu.region"() ({
      %run_scoped3A = tpu.sem_alloc : memref<!tpu.dma_semaphore, #tpu.memory_space<semaphore_mem>>
      %dma_start3A_55 = arith.constant 0 : i32
      %dma_start3A_56 = tpu.memref_slice %arg14[%arg1, %dma_start3A_55] : memref<16x10240xf32, #tpu.memory_space<vmem_shared>> -> memref<1x10240xf32, #tpu.memory_space<vmem_shared>>
      %dma_start3A_57 = tpu.memref_squeeze %dma_start3A_56 : memref<1x10240xf32, #tpu.memory_space<vmem_shared>> -> memref<10240xf32, #tpu.memory_space<vmem_shared>>
      %dma_start3A_58 = arith.constant 0 : i32
      %dma_start3A_59 = tpu.memref_slice %arg14[%arg1, %dma_start3A_58] : memref<16x10240xf32, #tpu.memory_space<vmem_shared>> -> memref<1x10240xf32, #tpu.memory_space<vmem_shared>>
      %dma_start3A_60 = tpu.memref_squeeze %dma_start3A_59 : memref<1x10240xf32, #tpu.memory_space<vmem_shared>> -> memref<10240xf32, #tpu.memory_space<vmem_shared>>
      tpu.enqueue_dma source(%arg10 : memref<10240xf32, #tpu.memory_space<vmem>>) target(%dma_start3A_60 : memref<10240xf32, #tpu.memory_space<vmem_shared>>) target_semaphore(%run_scoped3A : memref<!tpu.dma_semaphore, #tpu.memory_space<semaphore_mem>>)
      %dma_wait3A_61 = arith.constant 0 : i32
      %dma_wait3A_62 = tpu.memref_slice %arg14[%arg1, %dma_wait3A_61] : memref<16x10240xf32, #tpu.memory_space<vmem_shared>> -> memref<1x10240xf32, #tpu.memory_space<vmem_shared>>
      %dma_wait3A_63 = tpu.memref_squeeze %dma_wait3A_62 : memref<1x10240xf32, #tpu.memory_space<vmem_shared>> -> memref<10240xf32, #tpu.memory_space<vmem_shared>>
      %dma_wait3A_64 = arith.constant 0 : i32
      %dma_wait3A_65 = tpu.memref_slice %arg14[%arg1, %dma_wait3A_64] : memref<16x10240xf32, #tpu.memory_space<vmem_shared>> -> memref<1x10240xf32, #tpu.memory_space<vmem_shared>>
      %dma_wait3A_66 = tpu.memref_squeeze %dma_wait3A_65 : memref<1x10240xf32, #tpu.memory_space<vmem_shared>> -> memref<10240xf32, #tpu.memory_space<vmem_shared>>
      tpu.wait_dma2 semaphore(%run_scoped3A : memref<!tpu.dma_semaphore, #tpu.memory_space<semaphore_mem>>) src(%arg10 : memref<10240xf32, #tpu.memory_space<vmem>>) dst(%dma_wait3A_66 : memref<10240xf32, #tpu.memory_space<vmem_shared>>)
      tpu.yield
    }) : () -> ()
    %barrier3A_46 = arith.constant 0 : index
    tpu.barrier barrier_id(%barrier3A_46)
    %mul3A_47 = arith.constant 640 : i32
    %mul3A_48 = arith.muli %arg1, %mul3A_47 : i32
    "tpu.region"() ({
      %run_scoped3A = tpu.sem_alloc : memref<!tpu.dma_semaphore, #tpu.memory_space<semaphore_mem>>
      %dma_start3A_55 = arith.constant 0 : i32
      %dma_start3A_56 = tpu.memref_slice %arg14[%dma_start3A_55, %mul3A_48] : memref<16x10240xf32, #tpu.memory_space<vmem_shared>> -> memref<16x640xf32, #tpu.memory_space<vmem_shared>>
      %dma_start3A_57 = arith.constant 0 : i32
      %dma_start3A_58 = tpu.memref_slice %arg14[%dma_start3A_57, %mul3A_48] : memref<16x10240xf32, #tpu.memory_space<vmem_shared>> -> memref<16x640xf32, #tpu.memory_space<vmem_shared>>
      tpu.enqueue_dma source(%dma_start3A_58 : memref<16x640xf32, #tpu.memory_space<vmem_shared>>) target(%arg11 : memref<16x640xf32, #tpu.memory_space<vmem>>) target_semaphore(%run_scoped3A : memref<!tpu.dma_semaphore, #tpu.memory_space<semaphore_mem>>)
      %dma_wait3A_59 = arith.constant 0 : i32
      %dma_wait3A_60 = tpu.memref_slice %arg14[%dma_wait3A_59, %mul3A_48] : memref<16x10240xf32, #tpu.memory_space<vmem_shared>> -> memref<16x640xf32, #tpu.memory_space<vmem_shared>>
      %dma_wait3A_61 = arith.constant 0 : i32
      %dma_wait3A_62 = tpu.memref_slice %arg14[%dma_wait3A_61, %mul3A_48] : memref<16x10240xf32, #tpu.memory_space<vmem_shared>> -> memref<16x640xf32, #tpu.memory_space<vmem_shared>>
      tpu.wait_dma2 semaphore(%run_scoped3A : memref<!tpu.dma_semaphore, #tpu.memory_space<semaphore_mem>>) src(%dma_wait3A_62 : memref<16x640xf32, #tpu.memory_space<vmem_shared>>) dst(%arg11 : memref<16x640xf32, #tpu.memory_space<vmem>>)
      tpu.yield
    }) : () -> ()
    %parallel_loop3A_49 = arith.constant 0 : i32
    %parallel_loop3A_50 = arith.constant 40 : i32
    %parallel_loop3A_51 = arith.constant 1 : i32
    scf.for %parallel_loop3A_55 = %parallel_loop3A_49 to %parallel_loop3A_50 step %parallel_loop3A_51  : i32 {
      %parallel_loop3A_56 = arith.constant 16 : i32
      %parallel_loop3A_57 = arith.muli %parallel_loop3A_55, %parallel_loop3A_56 : i32
      %parallel_loop3A_58 = arith.constant 16 : i32
      %parallel_loop3A_59 = arith.muli %parallel_loop3A_55, %parallel_loop3A_58 : i32
      %parallel_loop3A_60 = arith.constant 0 : i32
      %parallel_loop3A_61 = arith.index_cast %parallel_loop3A_60 : i32 to index
      %parallel_loop3A_62 = arith.index_cast %parallel_loop3A_59 : i32 to index
      %parallel_loop3A_63 = tpu.vector_load %arg11[%parallel_loop3A_61, %parallel_loop3A_62] {strides = array<i32>} : memref<16x640xf32, #tpu.memory_space<vmem>>, vector<16xf32>,
      %parallel_loop3A_64 = arith.constant 1 : i32
      %parallel_loop3A_65 = arith.index_cast %parallel_loop3A_64 : i32 to index
      %parallel_loop3A_66 = arith.index_cast %parallel_loop3A_59 : i32 to index
      %parallel_loop3A_67 = tpu.vector_load %arg11[%parallel_loop3A_65, %parallel_loop3A_66] {strides = array<i32>} : memref<16x640xf32, #tpu.memory_space<vmem>>, vector<16xf32>,
      %parallel_loop3A_68 = arith.addf %parallel_loop3A_63, %parallel_loop3A_67 : vector<16xf32>
      %parallel_loop3A_69 = arith.constant 2 : i32
      %parallel_loop3A_70 = arith.index_cast %parallel_loop3A_69 : i32 to index
      %parallel_loop3A_71 = arith.index_cast %parallel_loop3A_59 : i32 to index
      %parallel_loop3A_72 = tpu.vector_load %arg11[%parallel_loop3A_70, %parallel_loop3A_71] {strides = array<i32>} : memref<16x640xf32, #tpu.memory_space<vmem>>, vector<16xf32>,
      %parallel_loop3A_73 = arith.addf %parallel_loop3A_68, %parallel_loop3A_72 : vector<16xf32>
      %parallel_loop3A_74 = arith.constant 3 : i32
      %parallel_loop3A_75 = arith.index_cast %parallel_loop3A_74 : i32 to index
      %parallel_loop3A_76 = arith.index_cast %parallel_loop3A_59 : i32 to index
      %parallel_loop3A_77 = tpu.vector_load %arg11[%parallel_loop3A_75, %parallel_loop3A_76] {strides = array<i32>} : memref<16x640xf32, #tpu.memory_space<vmem>>, vector<16xf32>,
      %parallel_loop3A_78 = arith.addf %parallel_loop3A_73, %parallel_loop3A_77 : vector<16xf32>
      %parallel_loop3A_79 = arith.constant 4 : i32
      %parallel_loop3A_80 = arith.index_cast %parallel_loop3A_79 : i32 to index
      %parallel_loop3A_81 = arith.index_cast %parallel_loop3A_59 : i32 to index
      %parallel_loop3A_82 = tpu.vector_load %arg11[%parallel_loop3A_80, %parallel_loop3A_81] {strides = array<i32>} : memref<16x640xf32, #tpu.memory_space<vmem>>, vector<16xf32>,
      %parallel_loop3A_83 = arith.addf %parallel_loop3A_78, %parallel_loop3A_82 : vector<16xf32>
      %parallel_loop3A_84 = arith.constant 5 : i32
      %parallel_loop3A_85 = arith.index_cast %parallel_loop3A_84 : i32 to index
      %parallel_loop3A_86 = arith.index_cast %parallel_loop3A_59 : i32 to index
      %parallel_loop3A_87 = tpu.vector_load %arg11[%parallel_loop3A_85, %parallel_loop3A_86] {strides = array<i32>} : memref<16x640xf32, #tpu.memory_space<vmem>>, vector<16xf32>,
      %parallel_loop3A_88 = arith.addf %parallel_loop3A_83, %parallel_loop3A_87 : vector<16xf32>
      %parallel_loop3A_89 = arith.constant 6 : i32
      %parallel_loop3A_90 = arith.index_cast %parallel_loop3A_89 : i32 to index
      %parallel_loop3A_91 = arith.index_cast %parallel_loop3A_59 : i32 to index
      %parallel_loop3A_92 = tpu.vector_load %arg11[%parallel_loop3A_90, %parallel_loop3A_91] {strides = array<i32>} : memref<16x640xf32, #tpu.memory_space<vmem>>, vector<16xf32>,
      %parallel_loop3A_93 = arith.addf %parallel_loop3A_88, %parallel_loop3A_92 : vector<16xf32>
      %parallel_loop3A_94 = arith.constant 7 : i32
      %parallel_loop3A_95 = arith.index_cast %parallel_loop3A_94 : i32 to index
      %parallel_loop3A_96 = arith.index_cast %parallel_loop3A_59 : i32 to index
      %parallel_loop3A_97 = tpu.vector_load %arg11[%parallel_loop3A_95, %parallel_loop3A_96] {strides = array<i32>} : memref<16x640xf32, #tpu.memory_space<vmem>>, vector<16xf32>,
      %parallel_loop3A_98 = arith.addf %parallel_loop3A_93, %parallel_loop3A_97 : vector<16xf32>
      %parallel_loop3A_99 = arith.constant 8 : i32
      %parallel_loop3A_100 = arith.index_cast %parallel_loop3A_99 : i32 to index
      %parallel_loop3A_101 = arith.index_cast %parallel_loop3A_59 : i32 to index
      %parallel_loop3A_102 = tpu.vector_load %arg11[%parallel_loop3A_100, %parallel_loop3A_101] {strides = array<i32>} : memref<16x640xf32, #tpu.memory_space<vmem>>, vector<16xf32>,
      %parallel_loop3A_103 = arith.addf %parallel_loop3A_98, %parallel_loop3A_102 : vector<16xf32>
      %parallel_loop3A_104 = arith.constant 9 : i32
      %parallel_loop3A_105 = arith.index_cast %parallel_loop3A_104 : i32 to index
      %parallel_loop3A_106 = arith.index_cast %parallel_loop3A_59 : i32 to index
      %parallel_loop3A_107 = tpu.vector_load %arg11[%parallel_loop3A_105, %parallel_loop3A_106] {strides = array<i32>} : memref<16x640xf32, #tpu.memory_space<vmem>>, vector<16xf32>,
      %parallel_loop3A_108 = arith.addf %parallel_loop3A_103, %parallel_loop3A_107 : vector<16xf32>
      %parallel_loop3A_109 = arith.constant 10 : i32
      %parallel_loop3A_110 = arith.index_cast %parallel_loop3A_109 : i32 to index
      %parallel_loop3A_111 = arith.index_cast %parallel_loop3A_59 : i32 to index
      %parallel_loop3A_112 = tpu.vector_load %arg11[%parallel_loop3A_110, %parallel_loop3A_111] {strides = array<i32>} : memref<16x640xf32, #tpu.memory_space<vmem>>, vector<16xf32>,
      %parallel_loop3A_113 = arith.addf %parallel_loop3A_108, %parallel_loop3A_112 : vector<16xf32>
      %parallel_loop3A_114 = arith.constant 11 : i32
      %parallel_loop3A_115 = arith.index_cast %parallel_loop3A_114 : i32 to index
      %parallel_loop3A_116 = arith.index_cast %parallel_loop3A_59 : i32 to index
      %parallel_loop3A_117 = tpu.vector_load %arg11[%parallel_loop3A_115, %parallel_loop3A_116] {strides = array<i32>} : memref<16x640xf32, #tpu.memory_space<vmem>>, vector<16xf32>,
      %parallel_loop3A_118 = arith.addf %parallel_loop3A_113, %parallel_loop3A_117 : vector<16xf32>
      %parallel_loop3A_119 = arith.constant 12 : i32
      %parallel_loop3A_120 = arith.index_cast %parallel_loop3A_119 : i32 to index
      %parallel_loop3A_121 = arith.index_cast %parallel_loop3A_59 : i32 to index
      %parallel_loop3A_122 = tpu.vector_load %arg11[%parallel_loop3A_120, %parallel_loop3A_121] {strides = array<i32>} : memref<16x640xf32, #tpu.memory_space<vmem>>, vector<16xf32>,
      %parallel_loop3A_123 = arith.addf %parallel_loop3A_118, %parallel_loop3A_122 : vector<16xf32>
      %parallel_loop3A_124 = arith.constant 13 : i32
      %parallel_loop3A_125 = arith.index_cast %parallel_loop3A_124 : i32 to index
      %parallel_loop3A_126 = arith.index_cast %parallel_loop3A_59 : i32 to index
      %parallel_loop3A_127 = tpu.vector_load %arg11[%parallel_loop3A_125, %parallel_loop3A_126] {strides = array<i32>} : memref<16x640xf32, #tpu.memory_space<vmem>>, vector<16xf32>,
      %parallel_loop3A_128 = arith.addf %parallel_loop3A_123, %parallel_loop3A_127 : vector<16xf32>
      %parallel_loop3A_129 = arith.constant 14 : i32
      %parallel_loop3A_130 = arith.index_cast %parallel_loop3A_129 : i32 to index
      %parallel_loop3A_131 = arith.index_cast %parallel_loop3A_59 : i32 to index
      %parallel_loop3A_132 = tpu.vector_load %arg11[%parallel_loop3A_130, %parallel_loop3A_131] {strides = array<i32>} : memref<16x640xf32, #tpu.memory_space<vmem>>, vector<16xf32>,
      %parallel_loop3A_133 = arith.addf %parallel_loop3A_128, %parallel_loop3A_132 : vector<16xf32>
      %parallel_loop3A_134 = arith.constant 15 : i32
      %parallel_loop3A_135 = arith.index_cast %parallel_loop3A_134 : i32 to index
      %parallel_loop3A_136 = arith.index_cast %parallel_loop3A_59 : i32 to index
      %parallel_loop3A_137 = tpu.vector_load %arg11[%parallel_loop3A_135, %parallel_loop3A_136] {strides = array<i32>} : memref<16x640xf32, #tpu.memory_space<vmem>>, vector<16xf32>,
      %parallel_loop3A_138 = arith.addf %parallel_loop3A_133, %parallel_loop3A_137 : vector<16xf32>
      %parallel_loop3A_139 = arith.constant 640 : i32
      %parallel_loop3A_140 = arith.muli %arg1, %parallel_loop3A_139 : i32
      %parallel_loop3A_141 = arith.addi %parallel_loop3A_140, %parallel_loop3A_57 : i32
      %parallel_loop3A_142 = arith.index_cast %parallel_loop3A_141 : i32 to index
      %parallel_loop3A_143 = tpu.vector_load %arg8[%parallel_loop3A_142] {strides = array<i32>} : memref<10240xf32, #tpu.memory_space<vmem>>, vector<16xf32>,
      %parallel_loop3A_144 = arith.constant 640 : i32
      %parallel_loop3A_145 = arith.muli %arg1, %parallel_loop3A_144 : i32
      %parallel_loop3A_146 = arith.addi %parallel_loop3A_145, %parallel_loop3A_57 : i32
      %parallel_loop3A_147 = arith.index_cast %parallel_loop3A_146 : i32 to index
      %parallel_loop3A_148 = tpu.vector_load %arg9[%parallel_loop3A_147] {strides = array<i32>} : memref<10240xf32, #tpu.memory_space<vmem>>, vector<16xf32>,
      %parallel_loop3A_149 = arith.addf %parallel_loop3A_148, %parallel_loop3A_138 : vector<16xf32>
      %parallel_loop3A_150 = arith.mulf %parallel_loop3A_143, %parallel_loop3A_149 : vector<16xf32>
      %parallel_loop3A_151 = arith.index_cast %parallel_loop3A_57 : i32 to index
      %parallel_loop3A_152 = tpu.vector_load %arg12[%parallel_loop3A_151] {strides = array<i32>} : memref<640xf32, #tpu.memory_space<vmem>>, vector<16xf32>,
      tpu.vector_store %arg12[%parallel_loop3A_151], %parallel_loop3A_150 {strides = array<i32>} : memref<640xf32, #tpu.memory_space<vmem>>, vector<16xf32>,
    } {sc.loop_unroll_factor = 2 : i64, sc.parallel_access}
    %convert_element_type3A_52 = arith.extui %eq3A_0 : i1 to i32
    %cond3A_53 = arith.constant 0 : i32
    %cond3A_54 = arith.cmpi ne, %convert_element_type3A_52, %cond3A_53 : i32
    scf.if %cond3A_54 {
      %mul3A_55 = arith.constant 640 : i32
      %mul3A_56 = arith.muli %arg1, %mul3A_55 : i32
      "tpu.region"() ({
        %run_scoped3A = tpu.sem_alloc : memref<!tpu.dma_semaphore, #tpu.memory_space<semaphore_mem>>
        %dma_start3A_57 = tpu.memref_slice %arg4[%mul3A_56] : memref<10240xf32, #tpu.memory_space<hbm>> -> memref<640xf32, #tpu.memory_space<hbm>>
        %dma_start3A_58 = tpu.memref_slice %arg4[%mul3A_56] : memref<10240xf32, #tpu.memory_space<hbm>> -> memref<640xf32, #tpu.memory_space<hbm>>
        tpu.enqueue_dma source(%arg12 : memref<640xf32, #tpu.memory_space<vmem>>) target(%dma_start3A_58 : memref<640xf32, #tpu.memory_space<hbm>>) target_semaphore(%run_scoped3A : memref<!tpu.dma_semaphore, #tpu.memory_space<semaphore_mem>>)
        %dma_wait3A_59 = tpu.memref_slice %arg4[%mul3A_56] : memref<10240xf32, #tpu.memory_space<hbm>> -> memref<640xf32, #tpu.memory_space<hbm>>
        %dma_wait3A_60 = tpu.memref_slice %arg4[%mul3A_56] : memref<10240xf32, #tpu.memory_space<hbm>> -> memref<640xf32, #tpu.memory_space<hbm>>
        tpu.wait_dma2 semaphore(%run_scoped3A : memref<!tpu.dma_semaphore, #tpu.memory_space<semaphore_mem>>) src(%arg12 : memref<640xf32, #tpu.memory_space<vmem>>) dst(%dma_wait3A_60 : memref<640xf32, #tpu.memory_space<hbm>>)
        tpu.yield
      }) : () -> ()
    } else {
    }
    return
  }
}

module attributes {stable_mosaic.version = 14 : i64} {
  func.func @body(%arg0: memref<1x10240xf32, #tpu.memory_space<vmem>>, %arg1: memref<1x10240xf32, #tpu.memory_space<vmem>>, %arg2: memref<10000x128xf32, #tpu.memory_space<vmem>>, %arg3: memref<128x128xf32, #tpu.memory_space<vmem>>, %arg4: memref<1x128xf32, #tpu.memory_space<vmem>>, %arg5: memref<128x128xf32, #tpu.memory_space<vmem>>, %arg6: memref<1x128xf32, #tpu.memory_space<vmem>>, %arg7: memref<128x10xf32, #tpu.memory_space<vmem>>, %arg8: memref<1x10xf32, #tpu.memory_space<vmem>>, %arg9: memref<1x10xf32, #tpu.memory_space<vmem>>) attributes {dimension_semantics = [], scalar_prefetch = 0 : i64, scratch_operands = 0 : i64, tpu.core_type = #tpu.core_type<tc>} {
    %get3A = arith.constant 0 : index
    %get3A_0 = arith.constant 0 : index
    %get3A_1 = vector.load %arg0[%get3A, %get3A_0] : memref<1x10240xf32, #tpu.memory_space<vmem>>, vector<1x10240xf32>
    %reduce_sum3A = vector.shape_cast %get3A_1 : vector<1x10240xf32> to vector<1x1x10240xf32>
    %reduce_sum3A_2 = arith.constant dense<0.000000e+00> : vector<1xf32>
    %reduce_sum3A_3 = vector.multi_reduction <add>, %reduce_sum3A, %reduce_sum3A_2 [1, 2] : vector<1x1x10240xf32> to vector<1xf32>
    %reduce_sum3A_4 = vector.shape_cast %reduce_sum3A_3 : vector<1xf32> to vector<1x1x1xf32>
    %reduce_sum3A_5 = vector.extract %reduce_sum3A_4[0, 0, 0] : f32 from vector<1x1x1xf32>
    %get3A_6 = arith.constant 0 : index
    %get3A_7 = arith.constant 0 : index
    %get3A_8 = vector.load %arg1[%get3A_6, %get3A_7] : memref<1x10240xf32, #tpu.memory_space<vmem>>, vector<1x10240xf32>
    %slice3A = vector.extract_strided_slice %get3A_8 {offsets = [0, 0], sizes = [1, 10000], strides = [1, 1]} : vector<1x10240xf32> to vector<1x10000xf32>
    %get3A_9 = arith.constant 0 : index
    %get3A_10 = arith.constant 0 : index
    %get3A_11 = vector.load %arg2[%get3A_9, %get3A_10] : memref<10000x128xf32, #tpu.memory_space<vmem>>, vector<10000x128xf32>
    %dot_general3A = arith.constant dense<0.000000e+00> : vector<1x128xf32>
    %dot_general3A_12 = tpu.matmul %slice3A, %get3A_11, %dot_general3A {dimension_numbers = #tpu.dot_dimension_numbers<[1], [0], [0], [1], [0, 0, 1, 1], [], []>, transpose_lhs_hint = false} : vector<1x10000xf32>, vector<10000x128xf32>, vector<1x128xf32> -> vector<1x128xf32>
    %get3A_13 = arith.constant 0 : index
    %get3A_14 = arith.constant 0 : index
    %get3A_15 = vector.load %arg3[%get3A_13, %get3A_14] : memref<128x128xf32, #tpu.memory_space<vmem>>, vector<128x128xf32>
    %dot_general3A_16 = arith.constant dense<0.000000e+00> : vector<1x128xf32>
    %dot_general3A_17 = tpu.matmul %dot_general3A_12, %get3A_15, %dot_general3A_16 {dimension_numbers = #tpu.dot_dimension_numbers<[1], [0], [0], [1], [0, 0, 1, 1], [], []>, transpose_lhs_hint = false} : vector<1x128xf32>, vector<128x128xf32>, vector<1x128xf32> -> vector<1x128xf32>
    %get3A_18 = arith.constant 0 : index
    %get3A_19 = arith.constant 0 : index
    %get3A_20 = vector.load %arg4[%get3A_18, %get3A_19] : memref<1x128xf32, #tpu.memory_space<vmem>>, vector<1x128xf32>
    %mul3A = vector.broadcast %reduce_sum3A_5 : f32 to vector<1x128xf32>
    %mul3A_21 = arith.mulf %mul3A, %get3A_20 : vector<1x128xf32>
    %add3A = arith.addf %dot_general3A_17, %mul3A_21 : vector<1x128xf32>
    %get3A_22 = arith.constant 0 : index
    %get3A_23 = arith.constant 0 : index
    %get3A_24 = vector.load %arg5[%get3A_22, %get3A_23] : memref<128x128xf32, #tpu.memory_space<vmem>>, vector<128x128xf32>
    %dot_general3A_25 = arith.constant dense<0.000000e+00> : vector<1x128xf32>
    %dot_general3A_26 = tpu.matmul %add3A, %get3A_24, %dot_general3A_25 {dimension_numbers = #tpu.dot_dimension_numbers<[1], [0], [0], [1], [0, 0, 1, 1], [], []>, transpose_lhs_hint = false} : vector<1x128xf32>, vector<128x128xf32>, vector<1x128xf32> -> vector<1x128xf32>
    %mul3A_27 = arith.constant 9.99999974E-5 : f32
    %mul3A_28 = vector.broadcast %mul3A_27 : f32 to vector<1x128xf32>
    %mul3A_29 = arith.mulf %dot_general3A_26, %mul3A_28 : vector<1x128xf32>
    %get3A_30 = arith.constant 0 : index
    %get3A_31 = arith.constant 0 : index
    %get3A_32 = vector.load %arg6[%get3A_30, %get3A_31] : memref<1x128xf32, #tpu.memory_space<vmem>>, vector<1x128xf32>
    %add3A_33 = arith.addf %mul3A_29, %get3A_32 : vector<1x128xf32>
    %get3A_34 = arith.constant 0 : index
    %get3A_35 = arith.constant 0 : index
    %get3A_36 = vector.load %arg7[%get3A_34, %get3A_35] : memref<128x10xf32, #tpu.memory_space<vmem>>, vector<128x10xf32>
    %dot_general3A_37 = arith.constant dense<0.000000e+00> : vector<1x10xf32>
    %dot_general3A_38 = tpu.matmul %add3A_33, %get3A_36, %dot_general3A_37 {dimension_numbers = #tpu.dot_dimension_numbers<[1], [0], [0], [1], [0, 0, 1, 1], [], []>, transpose_lhs_hint = false} : vector<1x128xf32>, vector<128x10xf32>, vector<1x10xf32> -> vector<1x10xf32>
    %get3A_39 = arith.constant 0 : index
    %get3A_40 = arith.constant 0 : index
    %get3A_41 = vector.load %arg8[%get3A_39, %get3A_40] : memref<1x10xf32, #tpu.memory_space<vmem>>, vector<1x10xf32>
    %add3A_42 = arith.addf %dot_general3A_38, %get3A_41 : vector<1x10xf32>
    %reduce_max3A = arith.constant dense<0xFF800000> : vector<1xf32>
    %reduce_max3A_43 = vector.multi_reduction <maximumf>, %add3A_42, %reduce_max3A [1] : vector<1x10xf32> to vector<1xf32>
    %broadcast_in_dim3A = vector.shape_cast %reduce_max3A_43 : vector<1xf32> to vector<1x1xf32>
    %sub3A = vector.broadcast %broadcast_in_dim3A : vector<1x1xf32> to vector<1x10xf32>
    %sub3A_44 = arith.subf %add3A_42, %sub3A : vector<1x10xf32>
    %exp3A = math.exp %sub3A_44 : vector<1x10xf32>
    %reduce_sum3A_45 = arith.constant dense<0.000000e+00> : vector<1xf32>
    %reduce_sum3A_46 = vector.multi_reduction <add>, %exp3A, %reduce_sum3A_45 [1] : vector<1x10xf32> to vector<1xf32>
    %broadcast_in_dim3A_47 = vector.shape_cast %reduce_sum3A_46 : vector<1xf32> to vector<1x1xf32>
    %log3A = math.log %broadcast_in_dim3A_47 : vector<1x1xf32>
    %add3A_48 = arith.addf %log3A, %broadcast_in_dim3A : vector<1x1xf32>
    %sub3A_49 = vector.broadcast %add3A_48 : vector<1x1xf32> to vector<1x10xf32>
    %sub3A_50 = arith.subf %add3A_42, %sub3A_49 : vector<1x10xf32>
    %swap3A = arith.constant 0 : index
    %swap3A_51 = arith.constant 0 : index
    %swap3A_52 = vector.load %arg9[%swap3A, %swap3A_51] : memref<1x10xf32, #tpu.memory_space<vmem>>, vector<1x10xf32>
    tpu.vector_store %arg9[%swap3A, %swap3A_51], %sub3A_50 {strides = array<i32>} : memref<1x10xf32, #tpu.memory_space<vmem>>, vector<1x10xf32>,
    return
  }
}

</mosaic_0001>

<sc_bundles>
// kernel: kernel.4.cloned.1.call-start
scs
__scs_entry_jumppad:
0x0: {  	(pc) =	sbr.rel $0x88, $3  }
0x1: {  	(tag) =	ssettag $0x0;
	lr =	simm.s32 $0x1  }
0x2: {  	[smem:$0x3F99] =	sst lr;
	_ =	strace $0xD0000000  }
0x3: {  	_ = 	snop  }
0x4: {  	_ = 	snop  }
0x5: {  	_ = 	snop  }
0x6: {  	_ = 	snop  }
0x7: {  	_ = 	snop  }
__scs_overlays_trampoline_lowered:
0x8: {  	[smem:$0x3FA8] =	sst s0  }
0x9: {  	[smem:$0x3FA9] =	sst s1  }
0xa: {  	[smem:$0x3FAA] =	sst s2  }
0xb: {  	[smem:$0x3FAB] =	sst s3  }
0xc: {  	[smem:$0x3FAC] =	sst s4  }
0xd: {  	[smem:$0x3FAD] =	sst s5  }
0xe: {  	[smem:$0x3FAE] =	sst s6  }
0xf: {  	[smem:$0x3FAF] =	sst s7  }
0x10: {  	[smem:$0x3FB0] =	sst s8  }
0x11: {  	[smem:$0x3FB1] =	sst s9;
	s0 =	simm.s32 @!p0 $0x0  }
0x12: {  	s1 =	sld [smem:$0x3F97];
	s0 =	simm.s32 @p0 $0x1  }
0x13: {  	[smem:$0x3FB2] =	sst s0;
	s0 =	simm.s32 @!p1 $0x0  }
0x14: {  	s2 =	sld [smem:$0x3F96];
	s0 =	simm.s32 @p1 $0x1  }
0x15: {  	[smem:$0x3FB3] =	sst s0;
	s0 =	simm.s32 @!p2 $0x0  }
0x16: {  	s3 =	sld [smem:$0x3FDB];
	s0 =	simm.s32 @p2 $0x1  }
0x17: {  	s4 =	simm.s32 $0x1BF5;
	[smem:$0x3FB5] =	sst s0  }
0x18: {  	s0 =	sld [smem:$0x3F98];
	_ =	swait.ge [sflag:s4], $0x0  }
0x19: {  	s7 =	sld [smem:$0x3F99]  }
0x1a: {  	s8 =	sadd.s32 $0xFFFFE003, lr  }
0x1b: {  	s9 =	sadd.s32 $0xFFFFFEF7, lr;
	s5 =	simm.s32 $0xFFFFFFFF;
	p2 =	slt.u32 s8, $0xFFFFF086  }
0x1c: {  	p1 =	slt.u32 s9, $0xF7A;
	s5 =	simm.s32 @!p2 $0x0  }
0x1d: {  	s5 =	simm.s32 @p1 $0x1;
	p0 =	seq.s32 s7, s2  }
0x1e: {  	s7 =	smul.u32 @!p0 $0xF7A, s2;
	p2 =	seq.s32 @!p0 s5, $0x0  }
0x1f: {  	s9 =	smul.u32 $0xF7A, s1;
	s8 =	simm.s32 @!p0 $0x1BF5;
	p2 =	por !p2, p0  }
0x20: {  	[sflag:s8] =	ssyncset.s32 @!p0 $0xFFFFF086;
	s6 =	sadd.s32 @!p0 s3, s7;
	s7 =	simm.s32 @!p0 $0x108  }
0x21: {  	s3 =	sadd.s32 s3, s9;
	s6 =	sadd.s32 @!p0 $0x88, s6;
	s7 =	simm.s32 @p2 $0x1082  }
0x22: {  	[simem:s7], [sflag:s8] =	dma.local @!p0 [hbm:s6], $0xF7A  }
0x23: {  	s9 =	sor.u32 $0xD0000000, s2;
	s6 =	simm.s32 $0x108;
	_ =	swait.ge @!p0 [sflag:s8], $0x0  }
0x24: {  	s3 =	sadd.s32 $0x88, s3;
	s6 =	simm.s32 @!p1 $0x1082;
	[sflag:s4] =	ssyncset.s32 $0xFFFFF086  }
0x25: {  	[simem:s6], [sflag:s4] =	dma.local [hbm:s3], $0xF7A  }
0x26: {  	[smem:$0x3F99] =	sst s1;
	(tag) =	ssettag s2;
	_ =	strace s9  }
0x27: {  	s1 =	sld [smem:$0x3FA9]  }
0x28: {  	s2 =	sld [smem:$0x3FAA]  }
0x29: {  	s4 =	sld [smem:$0x3FAC]  }
0x2a: {  	p0 =	seq.s32 s5, $0x0;
	s5 =	sld [smem:$0x3FAD]  }
0x2b: {  	s6 =	sld [smem:$0x3FAE]  }
0x2c: {  	s7 =	sld [smem:$0x3FAF]  }
0x2d: {  	s3 =	simm.s32 $0x108;
	s8 =	sld [smem:$0x3FB0]  }
0x2e: {  	s3 =	simm.s32 @!p0 $0x1082;
	s9 =	sld [smem:$0x3FB1]  }
0x2f: {  	lr =	sadd.s32 s0, s3;
	s0 =	sld [smem:$0x3FA8]  }
0x30: {  	s3 =	sld [smem:$0x3FAB]  }
0x31: {  	[smem:$0x3FB4] =	sst s10  }
0x32: {  	s10 =	sld [smem:$0x3FB2];
	_ =	sdelay $0x3  }
0x33: {  	p0 =	seq.s32 s10, $0x1;
	s10 =	sld [smem:$0x3FB4];
	_ =	sdelay $0x3  }
0x34: {  	[smem:$0x3FB4] =	sst s10  }
0x35: {  	s10 =	sld [smem:$0x3FB3];
	_ =	sdelay $0x3  }
0x36: {  	p1 =	seq.s32 s10, $0x1;
	s10 =	sld [smem:$0x3FB4];
	_ =	sdelay $0x3  }
0x37: {  	[smem:$0x3FB4] =	sst s10  }
0x38: {  	s10 =	sld [smem:$0x3FB5]  }
0x39: {  	_ = 	snop;
	(pc) =	sbr.ind lr, $3  }
0x3a: {  	_ = 	snop  }
0x3b: {  	_ = 	snop  }
0x3c: {  	p2 =	seq.s32 s10, $0x1;
	s10 =	sld [smem:$0x3FB4]  }
0x3d: {  	_ =	shalt  }
0x3e: {  	_ =	shalt  }
0x3f: {  	_ =	shalt  }
0x40: {  	_ =	shalt  }
0x41: {  	_ =	shalt  }
0x42: {  	_ =	shalt  }
0x43: {  	_ =	shalt  }
0x44: {  	_ =	shalt  }
0x45: {  	_ =	shalt  }
0x46: {  	_ =	shalt  }
0x47: {  	_ =	shalt  }
0x48: {  	_ =	shalt  }
0x49: {  	_ =	shalt  }
0x4a: {  	_ =	shalt  }
0x4b: {  	_ =	shalt  }
0x4c: {  	_ =	shalt  }
0x4d: {  	_ =	shalt  }
0x4e: {  	_ =	shalt  }
0x4f: {  	_ =	shalt  }
0x50: {  	_ =	shalt  }
0x51: {  	_ =	shalt  }
0x52: {  	_ =	shalt  }
0x53: {  	_ =	shalt  }
0x54: {  	_ =	shalt  }
0x55: {  	_ =	shalt  }
0x56: {  	_ =	shalt  }
0x57: {  	_ =	shalt  }
0x58: {  	_ =	shalt  }
0x59: {  	_ =	shalt  }
0x5a: {  	_ =	shalt  }
0x5b: {  	_ =	shalt  }
0x5c: {  	_ =	shalt  }
0x5d: {  	_ =	shalt  }
0x5e: {  	_ =	shalt  }
0x5f: {  	_ =	shalt  }
0x60: {  	_ =	shalt  }
0x61: {  	_ =	shalt  }
0x62: {  	_ =	shalt  }
0x63: {  	_ =	shalt  }
0x64: {  	_ =	shalt  }
0x65: {  	_ =	shalt  }
0x66: {  	_ =	shalt  }
0x67: {  	_ =	shalt  }
0x68: {  	_ =	shalt  }
0x69: {  	_ =	shalt  }
0x6a: {  	_ =	shalt  }
0x6b: {  	_ =	shalt  }
0x6c: {  	_ =	shalt  }
0x6d: {  	_ =	shalt  }
0x6e: {  	_ =	shalt  }
0x6f: {  	_ =	shalt  }
0x70: {  	_ =	shalt  }
0x71: {  	_ =	shalt  }
0x72: {  	_ =	shalt  }
0x73: {  	_ =	shalt  }
0x74: {  	_ =	shalt  }
0x75: {  	_ =	shalt  }
0x76: {  	_ =	shalt  }
0x77: {  	_ =	shalt  }
0x78: {  	_ =	shalt  }
0x79: {  	_ =	shalt  }
0x7a: {  	_ =	shalt  }
0x7b: {  	_ =	shalt  }
0x7c: {  	_ =	shalt  }
0x7d: {  	_ =	shalt  }
0x7e: {  	_ =	shalt  }
0x7f: {  	_ =	shalt  }
0x80: {  	_ =	shalt  }
0x81: {  	_ =	shalt  }
0x82: {  	_ =	shalt  }
0x83: {  	_ =	shalt  }
0x84: {  	_ =	shalt  }
0x85: {  	_ =	shalt  }
0x86: {  	_ =	shalt  }
0x87: {  	_ =	shalt  }
.Lfunc_end0:
.L_simem_size_0:
called_computation_lowered:
.L_overlay_start_0:
0x88: {  	s2 =	sld [smem:$0x3FD9]  }
0x89: {  	s3 =	sld [smem:$0x3FFE];
	_ =	sdelay $0x1  }
0x8a: {  	s1 =	srdreg.scid  }
0x8b: {  	s0 =	sand.u32 $0x1, s1  }
0x8c: {  	s17 =	sshll.u32 s0, $0xA;
	s2 =	sadd.s32 s3, s2  }
0x8d: {  	s2 =	sadd.s32 s2, s17  }
0x8e: {  	[smem:$0x3FC0] =	sst s2  }
0x8f: {  	_ = 	snop  }
0x90: {  	s2 =	sld [smem:$0x3FC8];
	(tm) =	ssettm $0x1  }
0x91: {  	s18 =	sld [smem:$0x3FFB];
	_ =	sdelay $0x3  }
0x92: {  	_ =	strace s18  }
0x93: {  	s3 =	sld [smem:$0x3FFC];
	_ =	sdelay $0x3  }
0x94: {  	_ =	strace s3  }
0x95: {  	s3 =	sld [smem:$0x3FFD];
	_ =	sdelay $0x3  }
0x96: {  	_ =	strace s3  }
0x97: {  	_ =	strace $0x8FFFFFFF  }
0x98: {  	s19 =	sld [smem:$0x3FDB];
	_ =	sdelay $0x1  }
0x99: {  	s4 =	simm.s32 $_scs_section_size  }
0x9a: {  	s5 =	simm.s32 $_size__tile_overlayer_lowered;
	s6 =	simm.s32 $_tile_overlayer_lowered  }
0x9b: {  	s22 =	simm.s32 $0x1BFF;
	s21 =	sshll.u32 s6, $0x1;
	s3 =	sadd.s32 s4, s19  }
0x9c: {  	s7 =	simm.s32 $0x0;
	s20 =	sshll.u32 s5, $0x1;
	s5 =	sadd.s32 s21, s3  }
0x9d: {  	[timem:s7], [sflag:s22] =	dma.local [hbm:s5], s20  }
0x9e: {  	_ =	swait.ge [sflag:s22], s20  }
0x9f: {  	s4 =	ssub.s32 $0x0, s20;
	[sflag:s22] =	ssyncset.done $0x0  }
0xa0: {  	[sflag:s22] =	ssyncadd.s32 s4;
	_ =	sdelay $0x1  }
0xa1: {  	s23 =	simm.s32 $0x1B8B  }
0xa2: {  	_ =	swait.ge [sflag:s23], $0x1  }
0xa3: {  	[sflag:s23] =	ssyncset.done $0x0  }
0xa4: {  	s25 =	simm.s32 $0x1B8E;
	s24 =	sld [smem:$0x3FFE];
	[sflag:s23] =	ssyncadd.s32 $0xFFFFFFFF  }
0xa5: {  	s26 =	simm.s32 $execute0_lowered;
	[smem:$0x3FD2] =	sst s25  }
0xa6: {  	s5 =	sshll.u32 s26, $0x1;
	_ =	strace $0x80000046;
	[dreg:$0x1] =	wrdreg $0xFFFFFFFF  }
0xa7: {  	s28 =	simm.s32 $_size_execute0_lowered;
	s3 =	sadd.s32 s3, s5;
	[dreg:$0x0] =	wrdreg $0x0  }
0xa8: {  	s5 =	sshll.u32 s28, $0x1;
	[dreg:$0x2] =	wrdreg s3  }
0xa9: {  	[dreg:$0x3] =	wrdreg s5  }
0xaa: {  	[dreg:$0x4] =	wrdreg $0xC0  }
0xab: {  	_ =	task [dreg:s7], $0x5FFFF  }
0xac: {  	[dreg:$0x1] =	wrdreg $0xFFFFFFFF  }
0xad: {  	[dreg:$0x0] =	wrdreg $0x60  }
0xae: {  	[dreg:$0x2] =	wrdreg s2  }
0xaf: {  	[dreg:$0x3] =	wrdreg s24  }
0xb0: {  	[dreg:$0x4] =	wrdreg $0x193800  }
0xb1: {  	[dreg:$0x5] =	wrdreg $0x1BB800  }
0xb2: {  	[dreg:$0x6] =	wrdreg $0x9  }
0xb3: {  	_ =	task.clear_ibuf [dreg:s7], $0x7FFFF;
	_ =	strace $0x90000046  }
0xb4: {  	s29 =	simm.s32 $0x9;
	_ =	strace $0x80000048  }
0xb5: {  	_ =	swait.ge [sflag:s29], $0x1  }
0xb6: {  	[sflag:s29] =	ssyncadd.s32 $0xFFFFFFFF  }
0xb7: {  	_ =	strace $0x90000048  }
0xb8: {  	_ =	sfence  }
0xb9: {  	s30 =	sld [smem:$0x0];
	_ =	sdelay $0x2  }
0xba: {  	s31 =	sshll.u32 s1, $0xD;
	s1 =	sshrl.u32 s1, $0x2  }
0xbb: {  	s3 =	sand.u32 $0x4000, s31;
	s1 =	sadd.s32 s1, s30  }
0xbc: {  	s0 =	sor.u32 s3, s0;
	s1 =	sshll.u32 s1, $0x11  }
0xbd: {  	s0 =	sor.u32 s1, s0  }
0xbe: {  	s0 =	sadd.s32 $0x8F2B, s0  }
0xbf: {  	[sflag:s0] =	ssyncadd.remote.s32 $0x1  }
0xc0: {  	_ =	sfence.sel $0xFFFF  }
0xc1: {  	[dreg:$0x0] =	wrdreg $0xFFFFFFFF;
	(pc) =	sbr.abs _section_cstart, $3  }
0xc2: {  	[dreg:$0x1] =	wrdreg $0xFFFFFFFF  }
0xc3: {  	_ =	task.clear_ibuf [dreg:s7], $0x2FFFF;
	_ =	strace $0x9FFFFFFF  }
0xc4: {  	(tm) =	ssettm $0x7FFFFFFF  }
0xc5: {  	_ =	shalt  }
tec
execute0_lowered:
.L_overlay_start_1:
0x0: {  	(tag) =	ssettag $0x1  }
0x1: {  	s0 =	rddreg [dreg:$0x0]  }
0x2: {  	s1 =	rddreg [dreg:$0x1]  }
0x3: {  	s2 =	rddreg [dreg:$0x2]  }
0x4: {  	s21 =	rddreg [dreg:$0x3];
	s4 =	simm.s32 $0x0;
	s10 =	stileid.u32  }
0x5: {  	s3 =	srdreg.scid;
	s17 =	simm.s32 $0x13E80;
	s30 =	simm.s32 $0x80  }
0x6: {  	s31 =	simm.s32 $0x400;
	[smem:$0x7FF] =	sst s4;
	s4 =	smul.u32 $0x280, s10  }
0x7: {  	s28 =	simm.s32 $0x11680;
	s29 =	simm.s32 $0x0;
	s19 =	smul.u32 $0x5000, s10  }
0x8: {  	s3 =	sand.u32 $0x1, s3;
	s6 =	sshrl.u32 s10, $0x3;
	s20 =	smul.u32 $0x1380, s10  }
0x9: {  	s9 =	sshll.u32 s10, $0x7;
	s12 =	sshll.u32 s10, $0x5;
	s25 =	sshll.u32 s10, $0x6  }
0xa: {  	s26 =	sand.u32 $0x3, s10;
	_ =	strace $0x80000047;
	s5 =	ssub.s32 $0x2, s3  }
0xb: {  	s6 =	smul.u32 $0x50000, s6;
	s9 =	sand.u32 $0x380, s9;
	s13 =	sadd.s32 $0x60, s25  }
0xc: {  	p0 =	sne.s32 s3, $0x0;
	s7 =	sshrl.u32 s4, $0x3;
	s8 =	sshrl.u32 s5, $0x1  }
0xd: {  	s0 =	sadd.s32 s0, s20;
	s20 =	simm.s32 $0x2;
	s1 =	sadd.s32 s7, s1  }
0xe: {  	s5 =	ssub.s32 s5, s8;
	s6 =	sshrl.u32 s6, $0x2;
	s7 =	sshrl.u32 s19, $0x2  }
0xf: {  	[dreg:$0x5] =	wrdreg s0;
	s8 =	sadd.s32 s4, s21;
	s0 =	sor.u32 $0x9C00, s25  }
0x10: {  	s25 =	simm.s32 $0xEE80;
	s22 =	sadd.s32 $0x1A00, s1;
	[dreg:$0x9] =	wrdreg s0  }
0x11: {  	s6 =	sadd.s32 s6, s2;
	s23 =	sadd.s32 $0x2000, s1;
	[dreg:$0x6] =	wrdreg s22  }
0x12: {  	s7 =	sadd.s32 s7, s2;
	s24 =	smax.u32 s5, $0x1;
	[dreg:$0x7] =	wrdreg s23  }
0x13: {  	s0 =	sshll.u32 s26, $0x5;
	s6 =	sadd.s32 s9, s6;
	[dreg:$0x8] =	wrdreg s24  }
0x14: {  	v0 =	vimm.f32 $0.0e+00;
	v1 =	vimm.f32 $1.000000000e+00;
	[dreg:$0xa] =	wrdreg s0;
	s22 =	simm.s32 $0x14000;
	s23 =	simm.s32 $0x16680  }
.LBB2_1:
0x15: {  	s0 =	simm.s32 $0x0;
	s1 =	rddreg [dreg:$0x5]  }
0x16: {  	[tilespmem:s0], [sflag:$0x1] =	stream.linear.gather [hbm4b:s1+s0], $0xA000, $0x38;
	[tilespmem:$0x1BE00] =	vst v63  }
0x17: {  	s0 =	simm.s32 $0x13EA0  }
0x18: {  	[tilespmem:s0+$0xFFFFFFE0] =	vst v0  }
0x19: {  	[tilespmem:s0+$0x10] =	vst v0  }
0x1a: {  	s1 =	simm.s32 $0x0;
	[tilespmem:s0+$0x0] =	vst v0  }
.LBB2_2:
0x1b: {  	s1 =	sadd.s32 $0x4, s1  }
0x1c: {  	[tilespmem:s0+$0xFFFFFFF0] =	vst v0;
	s0 =	sadd.s32 $0x40, s0;
	p1 =	slt.u32 s1, $0x27C  }
.Ltmp0:
0x1d: {  	[tilespmem:s0+$0xFFFFFFE0] =	vst v0;
	(pc) =	sbr.rel @p1 .LBB2_2-.Ltmp0, $3  }
0x1e: {  	_ =	sdelay $0x1  }
0x1f: {  	[tilespmem:s0+$0x10] =	vst v0  }
0x20: {  	[tilespmem:s0+$0x0] =	vst v0  }
0x21: {  	s18 =	simm.s32 $0x1;
	s19 =	sadd.s32 $0x10, s12  }
0x22: {  	[tilespmem:s0+$0xFFFFFFF0] =	vst v0;
	s1 =	sadd.s32 $0xFFFFFFA0, s13;
	s2 =	sadd.s32 $0xFFFFFFC0, s13;
	s3 =	sadd.s32 $0xFFFFFFE0, s13  }
0x23: {  	s5 =	sand.u32 $0x60, s12;
	s24 =	sadd.s32 $0x20, s12;
	_ =	swait.ge [sflag:s18], $0xA000  }
0x24: {  	s0 =	sand.u32 $0x70, s19;
	s2 =	sand.u32 $0x1FF00, s2;
	[sflag:s18] =	ssyncset.done $0x0  }
0x25: {  	s1 =	sand.u32 $0x1FF00, s1;
	s0 =	sor.u32 s0, s2;
	[sflag:s18] =	ssyncadd.s32 $0xFFFF6000  }
0x26: {  	s3 =	sand.u32 $0x1FF00, s3;
	s1 =	sor.u32 s5, s1;
	s2 =	sand.u32 $0x60, s24;
	v6 =	vld [tilespmem:s0+$0x0]  }
0x27: {  	s2 =	sor.u32 s2, s3;
	v7 =	vld [tilespmem:s1+$0x0]  }
0x28: {  	s26 =	sadd.s32 $0x30, s12;
	v5 =	vld [tilespmem:s2+$0x0]  }
0x29: {  	s9 =	sand.u32 $0x1FF00, s13;
	s5 =	sand.u32 $0x70, s26;
	v10 =	vld [tilespmem:s1+$0x80]  }
0x2a: {  	s3 =	sadd.s32 $0x80, s13;
	v2 =	vld [tilespmem:s2+$0x80];
	s1 =	sor.u32 s5, s9  }
0x2b: {  	s2 =	sadd.s32 $0x40, s12;
	s9 =	sadd.s32 $0xFFFFFFC0, s3;
	v3 =	vld [tilespmem:s0+$0x80];
	s11 =	sadd.s32 $0xFFFFFFA0, s3  }
0x2c: {  	s10 =	sadd.s32 $0x10, s2;
	v8 =	vld [tilespmem:s1+$0x0];
	s15 =	sand.u32 $0x60, s2;
	s0 =	sand.u32 $0x1FF00, s11  }
0x2d: {  	v11 =	vld [tilespmem:s1+$0x80];
	s9 =	sand.u32 $0x1FF00, s9;
	s5 =	sand.u32 $0x70, s10;
	s0 =	sor.u32 s15, s0  }
0x2e: {  	s14 =	sadd.s32 $0xFFFFFFE0, s3;
	s10 =	sadd.s32 $0x20, s2;
	s5 =	sor.u32 s5, s9;
	v12 =	vld [tilespmem:s0+$0x0]  }
0x2f: {  	s1 =	sand.u32 $0x1FF00, s14;
	s16 =	sand.u32 $0x60, s10;
	v4 =	vld [tilespmem:s5+$0x0];
	v9 =	vshll.u32 v5, $0x10  }
0x30: {  	s18 =	simm.s32 $0xA020;
	s1 =	sor.u32 s16, s1;
	v5 =	vld [tilespmem:s5+$0x80];
	v7 =	vshll.u32 v7, $0x10;
	v9 =	vor.u32 v9, v2  }
0x31: {  	v13 =	vor.u32 v7, v10;
	v7 =	vld [tilespmem:s1+$0x0];
	v8 =	vshll.u32 v8, $0x10;
	[tilespmem:s18+$0x0] =	vst v9  }
0x32: {  	[tilespmem:s18+$0xFFFFFFE0] =	vst v13;
	v9 =	vld [tilespmem:s0+$0x80];
	v63 =	vor.u32 v8, v11  }
0x33: {  	s19 =	sadd.s32 $0x30, s2;
	v8 =	vld [tilespmem:s1+$0x80];
	[tilespmem:s18+$0x10] =	vst v63  }
0x34: {  	s26 =	sand.u32 $0x1FF00, s3;
	s24 =	sand.u32 $0x70, s19;
	v6 =	vshll.u32 v6, $0x10;
	[tilespmem:v10+s17+$0x0] =	vst.idx.add.f32.msk $0xffff, v1  }
0x35: {  	s3 =	sadd.s32 $0x80, s3;
	s2 =	sadd.s32 $0x40, s2;
	s10 =	sor.u32 s24, s26;
	[tilespmem:v11+s17+$0x0] =	vst.idx.add.f32.msk $0xffff, v1;
	v11 =	vor.u32 v6, v3  }
0x36: {  	s5 =	simm.s32 $0xA0A0;
	s0 =	simm.s32 $0xA060;
	s1 =	simm.s32 $0x4;
	v10 =	vshll.u32 v12, $0x10;
	v6 =	vld [tilespmem:s10+$0x80];
	[tilespmem:s18+$0xFFFFFFF0] =	vst v11  }
.LBB2_4:
0x37: {  	s9 =	sadd.s32 $0xFFFFFFA0, s3;
	s11 =	sadd.s32 $0x10, s2;
	s14 =	sadd.s32 $0xFFFFFFC0, s3;
	[tilespmem:v3+s17+$0x0] =	vst.idx.add.f32.msk $0xffff, v1;
	v3 =	vmov v5;
	v11 =	vmov v9  }
0x38: {  	s15 =	sadd.s32 $0xFFFFFFE0, s3;
	s11 =	sand.u32 $0x70, s11;
	s14 =	sand.u32 $0x1FF00, s14;
	v9 =	vor.u32 v10, v11;
	v10 =	vld [tilespmem:s10+$0x0]  }
0x39: {  	v5 =	vshll.u32 v7, $0x10;
	s10 =	sand.u32 $0x60, s2;
	s9 =	sand.u32 $0x1FF00, s9;
	s11 =	sor.u32 s11, s14;
	[tilespmem:v2+s17+$0x0] =	vst.idx.add.f32.msk $0xffff, v1;
	v2 =	vmov v8  }
0x3a: {  	s9 =	sor.u32 s10, s9;
	s10 =	sadd.s32 $0x20, s2;
	s14 =	sadd.s32 $0x30, s2;
	v12 =	vld [tilespmem:s11+$0x0];
	v7 =	vor.u32 v5, v2  }
0x3b: {  	s1 =	sadd.s32 $0x4, s1;
	s10 =	sand.u32 $0x60, s10;
	v5 =	vld [tilespmem:s11+$0x80];
	s11 =	sand.u32 $0x1FF00, s15;
	[tilespmem:s0+$0x0] =	vst v7  }
0x3c: {  	p1 =	slt.u32 s1, $0x4DC;
	v13 =	vld [tilespmem:s9+$0x0];
	s10 =	sor.u32 s10, s11;
	[tilespmem:s0+$0xFFFFFFE0] =	vst v9;
	s11 =	smov.u32 s0  }
0x3d: {  	v15 =	vshll.u32 v4, $0x10;
	s0 =	smov.u32 s5;
	v7 =	vld [tilespmem:s10+$0x0];
	v8 =	vshll.u32 v10, $0x10  }
.Ltmp1:
0x3e: {  	v14 =	vor.u32 v15, v3;
	v9 =	vld [tilespmem:s9+$0x80];
	s9 =	sand.u32 $0x70, s14;
	s14 =	sand.u32 $0x1FF00, s3;
	v10 =	vor.u32 v8, v6;
	(pc) =	sbr.rel @p1 .LBB2_4-.Ltmp1, $4  }
0x3f: {  	v8 =	vld [tilespmem:s10+$0x80];
	s10 =	sor.u32 s9, s14;
	[tilespmem:s11+$0x10] =	vst v10;
	v4 =	vmov v12  }
0x40: {  	[tilespmem:v6+s17+$0x0] =	vst.idx.add.f32.msk $0xffff, v1  }
0x41: {  	s9 =	simm.s32 $0x0;
	v10 =	vshll.u32 v13, $0x10;
	[tilespmem:v11+s17+$0x0] =	vst.idx.add.f32.msk $0xffff, v1  }
0x42: {  	s2 =	sadd.s32 $0x40, s2;
	s5 =	sadd.s32 $0x40, s5;
	s3 =	sadd.s32 $0x80, s3;
	v6 =	vld [tilespmem:s10+$0x80];
	[tilespmem:s11+$0xFFFFFFF0] =	vst v14  }
0x43: {  	_ =	sdelay $0x2  }
0x44: {  	v11 =	vld [tilespmem:s10+$0x0]  }
0x45: {  	[tilespmem:v3+s17+$0x0] =	vst.idx.add.f32.msk $0xffff, v1;
	v3 =	vshll.u32 v7, $0x10  }
0x46: {  	[tilespmem:v2+s17+$0x0] =	vst.idx.add.f32.msk $0xffff, v1;
	v2 =	vor.u32 v3, v8  }
0x47: {  	v3 =	vor.u32 v10, v9;
	[tilespmem:s0+$0x0] =	vst v2  }
0x48: {  	[tilespmem:s0+$0xFFFFFFE0] =	vst v3  }
0x49: {  	[tilespmem:v9+s17+$0x0] =	vst.idx.add.f32.msk $0xffff, v1;
	v2 =	vshll.u32 v11, $0x10  }
0x4a: {  	[tilespmem:v8+s17+$0x0] =	vst.idx.add.f32.msk $0xffff, v1;
	v2 =	vor.u32 v2, v6  }
0x4b: {  	[tilespmem:s0+$0x10] =	vst v2;
	v2 =	vshll.u32 v4, $0x10  }
0x4c: {  	[tilespmem:v6+s17+$0x0] =	vst.idx.add.f32.msk $0xffff, v1;
	v2 =	vor.u32 v2, v5  }
0x4d: {  	[tilespmem:s0+$0xFFFFFFF0] =	vst v2  }
0x4e: {  	[tilespmem:v5+s17+$0x0] =	vst.idx.add.f32.msk $0xffff, v1  }
0x4f: {  	s0 =	rddreg [dreg:$0xa]  }
0x50: {  	s1 =	rddreg [dreg:$0x9]  }
.LBB2_6:
0x51: {  	s2 =	sand.u32 $0x3FFFFF00, s1  }
0x52: {  	s2 =	sadd.s32 s2, s0  }
0x53: {  	v2 =	vld [tilespmem:s2+$0x0]  }
0x54: {  	v3 =	vld [tilespmem:s2+$0x80];
	_ =	sdelay $0x2  }
0x55: {  	p1 =	sne.s32 s9, $0x40  }
.Ltmp2:
0x56: {  	_ = 	snop;
	(pc) =	sbr.rel @p1 .LBB2_6-.Ltmp2, $4  }
0x57: {  	v2 =	vshll.u32 v2, $0x10  }
0x58: {  	s26 =	sshra.s32 s9, $0x2;
	v2 =	vor.u32 v2, v3  }
0x59: {  	[tilespmem:s26+$0xEE00] =	vst v2  }
0x5a: {  	s1 =	sadd.s32 $0x20, s1;
	s9 =	sadd.s32 $0x40, s9;
	s0 =	sadd.s32 $0x10, s0;
	[tilespmem:v3+s17+$0x0] =	vst.idx.add.f32.msk $0xffff, v1  }
0x5b: {  	[spmem:s6] =	stream.strided.scatter [tilespmem:s17], [sflag:$0x2], $0x2800, s31, s30, $0x38;
	[tilespmem:$0x1BE00] =	vst v63  }
0x5c: {  	_ =	swait.ge [sflag:s20], $0x2800  }
0x5d: {  	[sflag:s20] =	ssyncset.done $0x0  }
0x5e: {  	[sflag:s20] =	ssyncadd.s32 $0xFFFFD800  }
0x5f: {  	s0 =	simm.s32 $0x1400;
	[bflag:$0x0] =	sbarrier.arrive $0xFFFF  }
0x60: {  	[tilespmem:s23], [sflag:$0x2] =	stream.strided.gather [spmem:s7], $0x2800, s22, s0, $0x38;
	[tilespmem:$0x1BE00] =	vst v63  }
0x61: {  	s0 =	simm.s32 $0x0  }
0x62: {  	_ =	swait.ge [sflag:s20], $0x2800;
	s5 =	sand.u32 $0x60, s0;
	s2 =	sand.u32 $0x1C00, s0  }
0x63: {  	[sflag:s20] =	ssyncset.done $0x0;
	s3 =	sadd.s32 $0x16680, s2;
	s1 =	sor.u32 $0x10, s5  }
0x64: {  	[sflag:s20] =	ssyncadd.s32 $0xFFFFD800;
	s9 =	sor.u32 s1, s3  }
0x65: {  	v5 =	vld [tilespmem:s9+$0x0]  }
0x66: {  	s3 =	sor.u32 s5, s3;
	v6 =	vld [tilespmem:s9+$0x80]  }
0x67: {  	v7 =	vld [tilespmem:s3+$0x0]  }
0x68: {  	v10 =	vld [tilespmem:s9+$0x100]  }
0x69: {  	v11 =	vld [tilespmem:s3+$0x80]  }
0x6a: {  	v14 =	vld [tilespmem:s9+$0x180]  }
0x6b: {  	v16 =	vld [tilespmem:s3+$0x100]  }
0x6c: {  	v17 =	vld [tilespmem:s9+$0x200]  }
0x6d: {  	v18 =	vld [tilespmem:s3+$0x180]  }
0x6e: {  	v19 =	vld [tilespmem:s9+$0x280]  }
0x6f: {  	v20 =	vld [tilespmem:s3+$0x200]  }
0x70: {  	v21 =	vld [tilespmem:s9+$0x300]  }
0x71: {  	v22 =	vld [tilespmem:s3+$0x280]  }
0x72: {  	s10 =	sadd.s32 $0x17A80, s2;
	v23 =	vld [tilespmem:s9+$0x380]  }
0x73: {  	s26 =	sor.u32 s1, s10;
	v24 =	vld [tilespmem:s3+$0x300]  }
0x74: {  	v25 =	vld [tilespmem:s26+$0x0]  }
0x75: {  	s14 =	sadd.s32 $0x17B80, s2;
	s10 =	sor.u32 s5, s10;
	v15 =	vld [tilespmem:s3+$0x380]  }
0x76: {  	s11 =	sadd.s32 $0x17B00, s2;
	s15 =	sor.u32 s1, s14;
	v12 =	vld [tilespmem:s10+$0x0]  }
0x77: {  	s18 =	sadd.s32 $0x17C00, s2;
	s16 =	sor.u32 s5, s11;
	v27 =	vld [tilespmem:s15+$0x0]  }
0x78: {  	s19 =	sor.u32 s1, s18;
	v13 =	vld [tilespmem:s16+$0x0]  }
0x79: {  	s24 =	sor.u32 s5, s14;
	v28 =	vld [tilespmem:s19+$0x0]  }
0x7a: {  	s9 =	sor.u32 s1, s11;
	v9 =	vld [tilespmem:s24+$0x0]  }
0x7b: {  	s14 =	sadd.s32 $0x17D00, s2;
	s11 =	sor.u32 s5, s18;
	v26 =	vld [tilespmem:s9+$0x0]  }
0x7c: {  	s16 =	sor.u32 s1, s14;
	v8 =	vld [tilespmem:s11+$0x0]  }
0x7d: {  	s26 =	sadd.s32 $0x17C80, s2;
	s19 =	sor.u32 s5, s14;
	v30 =	vld [tilespmem:s16+$0x0]  }
0x7e: {  	s9 =	sor.u32 s1, s26;
	v3 =	vld [tilespmem:s19+$0x0]  }
0x7f: {  	s15 =	sadd.s32 $0x17D80, s2;
	s14 =	sadd.s32 $0x17E00, s2;
	s18 =	sor.u32 s5, s26;
	v29 =	vld [tilespmem:s9+$0x0]  }
0x80: {  	s2 =	simm.s32 $0x20;
	s24 =	sor.u32 s1, s15;
	s26 =	simm.s32 $0x100;
	v4 =	vld [tilespmem:s18+$0x0]  }
0x81: {  	s11 =	sor.u32 s1, s14;
	v31 =	vld [tilespmem:s24+$0x0];
	s9 =	sand.u32 $0x60, s2;
	s10 =	sand.u32 $0x1C00, s26  }
0x82: {  	s15 =	sor.u32 s5, s15;
	v32 =	vld [tilespmem:s11+$0x0];
	s16 =	sadd.s32 $0x16680, s10;
	s3 =	sor.u32 $0x10, s9  }
0x83: {  	v2 =	vld [tilespmem:s15+$0x0];
	s18 =	sor.u32 s3, s16  }
0x84: {  	v33 =	vld [tilespmem:s18+$0x0]  }
0x85: {  	s15 =	sor.u32 s9, s16;
	v34 =	vld [tilespmem:s18+$0x80]  }
0x86: {  	v35 =	vld [tilespmem:s15+$0x0]  }
0x87: {  	v36 =	vld [tilespmem:s18+$0x100]  }
0x88: {  	v37 =	vld [tilespmem:s15+$0x80]  }
0x89: {  	v38 =	vld [tilespmem:s18+$0x180]  }
0x8a: {  	v39 =	vld [tilespmem:s15+$0x100]  }
0x8b: {  	v40 =	vld [tilespmem:s18+$0x200]  }
0x8c: {  	v41 =	vld [tilespmem:s15+$0x180]  }
0x8d: {  	v5 =	vadd.f32 v6, v5;
	v6 =	vld [tilespmem:s18+$0x280]  }
0x8e: {  	v42 =	vld [tilespmem:s15+$0x200]  }
0x8f: {  	v43 =	vld [tilespmem:s18+$0x300]  }
0x90: {  	v44 =	vld [tilespmem:s15+$0x280];
	v5 =	vadd.f32 v10, v5  }
0x91: {  	s24 =	sadd.s32 $0x17A80, s10;
	v45 =	vld [tilespmem:s18+$0x380]  }
0x92: {  	s19 =	sor.u32 s3, s24;
	v46 =	vld [tilespmem:s15+$0x300];
	v5 =	vadd.f32 v14, v5  }
0x93: {  	v53 =	vld [tilespmem:s19+$0x0]  }
0x94: {  	s26 =	sadd.s32 $0x17B00, s10;
	s16 =	sor.u32 s9, s24;
	v47 =	vld [tilespmem:s15+$0x380];
	v5 =	vadd.f32 v17, v5  }
0x95: {  	s24 =	sadd.s32 $0x17B80, s10;
	s15 =	sor.u32 s3, s26;
	v48 =	vld [tilespmem:s16+$0x0]  }
0x96: {  	s18 =	sor.u32 s3, s24;
	s19 =	sor.u32 s9, s26;
	s26 =	sadd.s32 $0x17C00, s10;
	v7 =	vadd.f32 v11, v7;
	v54 =	vld [tilespmem:s15+$0x0];
	v5 =	vadd.f32 v19, v5  }
0x97: {  	v55 =	vld [tilespmem:s18+$0x0];
	s16 =	sor.u32 s3, s26  }
0x98: {  	s18 =	sor.u32 s9, s24;
	v56 =	vld [tilespmem:s16+$0x0];
	v7 =	vadd.f32 v16, v7;
	v5 =	vadd.f32 v21, v5  }
0x99: {  	v11 =	vld [tilespmem:s18+$0x0];
	s16 =	sadd.s32 $0x17D00, s10;
	v10 =	vadd.f32 v34, v33  }
0x9a: {  	s24 =	sadd.s32 $0x17C80, s10;
	s18 =	sor.u32 s3, s16;
	v14 =	vld [tilespmem:s19+$0x0];
	v7 =	vadd.f32 v18, v7;
	v5 =	vadd.f32 v23, v5  }
0x9b: {  	s19 =	sor.u32 s3, s24;
	v59 =	vld [tilespmem:s18+$0x0];
	v58 =	vadd.f32 v36, v10  }
0x9c: {  	s26 =	sor.u32 s9, s26;
	v57 =	vld [tilespmem:s19+$0x0];
	v20 =	vadd.f32 v20, v7;
	v5 =	vadd.f32 v25, v5  }
0x9d: {  	s19 =	sor.u32 s9, s24;
	v10 =	vld [tilespmem:s26+$0x0];
	s26 =	sadd.s32 $0x17E00, s10;
	v18 =	vadd.f32 v38, v58  }
0x9e: {  	v7 =	vld [tilespmem:s19+$0x0];
	v20 =	vadd.f32 v22, v20;
	s18 =	sor.u32 s3, s26;
	v5 =	vadd.f32 v26, v5  }
0x9f: {  	s31 =	simm.s32 $0x40;
	s5 =	sor.u32 s5, s14;
	s24 =	sadd.s32 $0x17D80, s10;
	v61 =	vld [tilespmem:s18+$0x0];
	v18 =	vadd.f32 v40, v18  }
0xa0: {  	s15 =	sor.u32 s3, s24;
	s19 =	simm.s32 $0x200;
	s24 =	sor.u32 s9, s24;
	v20 =	vadd.f32 v24, v20;
	v24 =	vld [tilespmem:s5+$0x0];
	v26 =	vadd.f32 v27, v5  }
0xa1: {  	s16 =	sor.u32 s9, s16;
	s10 =	sand.u32 $0x60, s31;
	s11 =	sand.u32 $0x1C00, s19;
	v18 =	vadd.f32 v6, v18;
	v6 =	vld [tilespmem:s24+$0x0]  }
0xa2: {  	s30 =	sor.u32 $0x10, s10;
	v5 =	vld [tilespmem:s16+$0x0];
	s16 =	sadd.s32 $0x16680, s11;
	v60 =	vadd.f32 v28, v26  }
0xa3: {  	v15 =	vadd.f32 v15, v20;
	v27 =	vld [tilespmem:s15+$0x0];
	s18 =	sor.u32 s30, s16  }
0xa4: {  	v18 =	vadd.f32 v43, v18;
	v62 =	vld [tilespmem:s18+$0x0];
	v22 =	vadd.f32 v29, v60  }
0xa5: {  	v12 =	vadd.f32 v12, v15;
	s19 =	sor.u32 s10, s16;
	v63 =	vld [tilespmem:s18+$0x80]  }
0xa6: {  	v15 =	vadd.f32 v45, v18;
	v33 =	vld [tilespmem:s19+$0x0];
	v22 =	vadd.f32 v30, v22  }
0xa7: {  	v12 =	vadd.f32 v13, v12;
	v34 =	vld [tilespmem:s18+$0x100]  }
0xa8: {  	v13 =	vadd.f32 v53, v15;
	v15 =	vld [tilespmem:s19+$0x80];
	v22 =	vadd.f32 v31, v22  }
0xa9: {  	v38 =	vld [tilespmem:s18+$0x180]  }
0xaa: {  	v37 =	vadd.f32 v37, v35;
	v43 =	vld [tilespmem:s19+$0x100];
	v36 =	vadd.f32 v32, v22  }
0xab: {  	v9 =	vadd.f32 v9, v12;
	v45 =	vld [tilespmem:s18+$0x200];
	v13 =	vadd.f32 v54, v13  }
0xac: {  	v49 =	vld [tilespmem:s19+$0x180];
	v40 =	vadd.f32 v63, v62;
	v17 =	vadd.f32 $1.000000000e+00, v36  }
0xad: {  	v51 =	vld [tilespmem:s18+$0x280];
	v13 =	vadd.f32 v55, v13;
	v22 =	vadd.f32 v39, v37  }
0xae: {  	v53 =	vld [tilespmem:s19+$0x200];
	v19 =	vadd.f32 v34, v40;
	v50 =	vshra.s32 v17, $0x1;
	v17 =	vmul.f32 $5.000000000e-01, v17  }
0xaf: {  	v58 =	vld [tilespmem:s19+$0x300];
	v13 =	vadd.f32 v56, v13;
	v22 =	vadd.f32 v41, v22;
	v52 =	vsub.s32 $0x5F3759DF, v50  }
0xb0: {  	v8 =	vadd.f32 v8, v9;
	v54 =	vld [tilespmem:s18+$0x300];
	v19 =	vadd.f32 v38, v19;
	v12 =	vmul.f32 v52, v17  }
0xb1: {  	v60 =	vld [tilespmem:s19+$0x380];
	v13 =	vadd.f32 v57, v13;
	v22 =	vadd.f32 v42, v22  }
0xb2: {  	v4 =	vadd.f32 v4, v8;
	v56 =	vld [tilespmem:s19+$0x280];
	v55 =	vadd.f32 v45, v19;
	v9 =	vmul.f32 v52, v12  }
0xb3: {  	s9 =	sor.u32 s9, s26;
	s24 =	sadd.s32 $0x17A80, s11;
	v57 =	vld [tilespmem:s18+$0x380];
	v13 =	vadd.f32 v59, v13;
	v12 =	vadd.f32 v44, v22  }
0xb4: {  	s16 =	sor.u32 s30, s24;
	s18 =	sadd.s32 $0x17B00, s11;
	v37 =	vld [tilespmem:s9+$0x0];
	v16 =	vadd.f32 v51, v55;
	v9 =	vsub.f32 $1.500000000e+00, v9  }
0xb5: {  	s19 =	sor.u32 s30, s18;
	s18 =	sor.u32 s10, s18;
	v59 =	vld [tilespmem:s16+$0x0];
	v13 =	vadd.f32 v27, v13;
	v12 =	vadd.f32 v46, v12  }
0xb6: {  	s15 =	sadd.s32 $0x17B80, s11;
	v3 =	vadd.f32 v3, v4;
	v63 =	vld [tilespmem:s18+$0x0];
	v16 =	vadd.f32 v54, v16;
	v8 =	vmul.f32 v52, v9  }
0xb7: {  	s16 =	sor.u32 s30, s15;
	v13 =	vadd.f32 v61, v13;
	v9 =	vadd.f32 v47, v12;
	v12 =	vld [tilespmem:s19+$0x0]  }
0xb8: {  	v2 =	vadd.f32 v2, v3;
	v62 =	vld [tilespmem:s16+$0x0];
	s16 =	sor.u32 s10, s15;
	v16 =	vadd.f32 v57, v16;
	v4 =	vmul.f32 v8, v17  }
0xb9: {  	s14 =	sor.u32 s10, s24;
	v30 =	vld [tilespmem:s16+$0x0];
	v13 =	vadd.f32 $1.000000000e+00, v13;
	s19 =	sadd.s32 $0x17C00, s11;
	v9 =	vadd.f32 v48, v9  }
0xba: {  	v2 =	vadd.f32 v24, v2;
	s15 =	sadd.s32 $0x17C80, s11;
	v61 =	vld [tilespmem:s14+$0x0];
	v16 =	vadd.f32 v59, v16;
	s14 =	sor.u32 s30, s19;
	v3 =	vmul.f32 v4, v8  }
0xbb: {  	s18 =	sor.u32 s30, s15;
	v4 =	vadd.f32 v14, v9;
	v9 =	vld [tilespmem:s14+$0x0];
	v14 =	vshra.s32 v13, $0x1;
	v13 =	vmul.f32 $5.000000000e-01, v13  }
0xbc: {  	s24 =	sadd.s32 $0x17D00, s11;
	v31 =	vld [tilespmem:s18+$0x0];
	s19 =	sor.u32 s10, s19;
	v12 =	vadd.f32 v12, v16;
	v14 =	vsub.s32 $0x5F3759DF, v14;
	v3 =	vsub.f32 $1.500000000e+00, v3  }
0xbd: {  	v2 =	vadd.f32 $1.000000000e+00, v2;
	s16 =	sor.u32 s30, s24;
	v32 =	vld [tilespmem:s19+$0x0];
	s19 =	sadd.s32 $0x17D80, s11;
	v4 =	vadd.f32 v11, v4;
	v11 =	vmul.f32 v14, v13  }
0xbe: {  	s18 =	sor.u32 s10, s15;
	s11 =	sadd.s32 $0x17E00, s11;
	s14 =	sor.u32 s30, s19;
	v12 =	vadd.f32 v62, v12;
	v3 =	vmul.f32 v3, v8;
	v8 =	vadd.f32 v15, v33;
	v15 =	vld [tilespmem:s16+$0x0]  }
0xbf: {  	v4 =	vadd.f32 v10, v4;
	v10 =	vmul.f32 v14, v11;
	v11 =	vld [tilespmem:s18+$0x0];
	s16 =	sor.u32 s10, s24;
	s18 =	simm.s32 $0x300;
	s24 =	simm.s32 $0x60  }
0xc0: {  	s15 =	sor.u32 s10, s19;
	v34 =	vld [tilespmem:s14+$0x0];
	v9 =	vadd.f32 v9, v12;
	v12 =	vshra.s32 v2, $0x1;
	s5 =	sand.u32 $0x60, s24;
	s14 =	sand.u32 $0x1C00, s18  }
0xc1: {  	v33 =	vmul.f32 $5.000000000e-01, v2;
	v2 =	vld [tilespmem:s16+$0x0];
	s16 =	sor.u32 s30, s11;
	v8 =	vadd.f32 v43, v8;
	v12 =	vsub.s32 $0x5F3759DF, v12;
	s19 =	sadd.s32 $0x16680, s14;
	s26 =	sor.u32 $0x10, s5  }
0xc2: {  	v10 =	vsub.f32 $1.500000000e+00, v10;
	v17 =	vmul.f32 v3, v17;
	v36 =	vld [tilespmem:s16+$0x0];
	v7 =	vadd.f32 v7, v4;
	s18 =	sor.u32 s26, s19  }
0xc3: {  	v9 =	vadd.f32 v31, v9;
	v35 =	vmul.f32 v12, v33;
	v8 =	vadd.f32 v49, v8;
	v38 =	vld [tilespmem:s18+$0x0]  }
0xc4: {  	v10 =	vmul.f32 v14, v10;
	v14 =	vmul.f32 v17, v3;
	v5 =	vadd.f32 v5, v7;
	v39 =	vld [tilespmem:s18+$0x80]  }
0xc5: {  	v9 =	vadd.f32 v15, v9;
	v15 =	vmul.f32 v12, v35;
	v8 =	vadd.f32 v53, v8  }
0xc6: {  	v7 =	vmul.f32 v10, v13;
	v14 =	vsub.f32 $1.500000000e+00, v14;
	v5 =	vadd.f32 v6, v5  }
0xc7: {  	v9 =	vadd.f32 v34, v9;
	v15 =	vsub.f32 $1.500000000e+00, v15  }
0xc8: {  	v4 =	vld [tilespmem:s15+$0x0];
	s9 =	sor.u32 s5, s19;
	v8 =	vadd.f32 v56, v8;
	v7 =	vmul.f32 v7, v10;
	v5 =	vadd.f32 v37, v5  }
0xc9: {  	v40 =	vld [tilespmem:s9+$0x0];
	v14 =	vmul.f32 v14, v3;
	v9 =	vadd.f32 v36, v9;
	v19 =	vadd.f32 v39, v38  }
0xca: {  	v6 =	vmul.f32 v12, v15;
	v12 =	vld [tilespmem:s18+$0x100];
	v8 =	vadd.f32 v58, v8;
	v3 =	vsub.f32 $1.500000000e+00, v7  }
0xcb: {  	v7 =	vld [tilespmem:s9+$0x80];
	v5 =	vadd.f32 $1.000000000e+00, v5;
	v9 =	vadd.f32 $1.000000000e+00, v9  }
0xcc: {  	v41 =	vld [tilespmem:s18+$0x180];
	v15 =	vmul.f32 v6, v33;
	v8 =	vadd.f32 v60, v8;
	v10 =	vmul.f32 v3, v10  }
0xcd: {  	v42 =	vld [tilespmem:s9+$0x100];
	v47 =	vshra.s32 v5, $0x1;
	v43 =	vshra.s32 v9, $0x1;
	v9 =	vmul.f32 $5.000000000e-01, v9  }
0xce: {  	v3 =	vld [tilespmem:s18+$0x200];
	v48 =	vmul.f32 $5.000000000e-01, v5;
	v50 =	vsub.s32 $0x5F3759DF, v47;
	v20 =	vsub.s32 $0x5F3759DF, v43  }
0xcf: {  	v44 =	vld [tilespmem:s9+$0x180];
	v15 =	vmul.f32 v15, v6;
	v12 =	vadd.f32 v12, v19;
	v45 =	vmul.f32 v20, v9  }
0xd0: {  	v46 =	vld [tilespmem:s18+$0x280];
	v8 =	vadd.f32 v61, v8;
	v25 =	vmul.f32 v50, v48;
	v7 =	vadd.f32 v7, v40  }
0xd1: {  	v15 =	vsub.f32 $1.500000000e+00, v15;
	v5 =	vadd.f32 v41, v12;
	v12 =	vld [tilespmem:s9+$0x200];
	v49 =	vmul.f32 v20, v45  }
0xd2: {  	v51 =	vld [tilespmem:s18+$0x300];
	v13 =	vmul.f32 v10, v13;
	v8 =	vadd.f32 v63, v8;
	v7 =	vadd.f32 v42, v7  }
0xd3: {  	v3 =	vadd.f32 v3, v5;
	v5 =	vld [tilespmem:s9+$0x280];
	v17 =	vsub.f32 $1.500000000e+00, v49  }
0xd4: {  	s16 =	sadd.s32 $0x17A80, s14;
	v52 =	vld [tilespmem:s18+$0x380];
	v53 =	vmul.f32 v50, v25;
	v13 =	vmul.f32 v13, v10;
	v7 =	vadd.f32 v44, v7  }
0xd5: {  	s19 =	sor.u32 s26, s16;
	v54 =	vld [tilespmem:s9+$0x300];
	v8 =	vadd.f32 v30, v8;
	v3 =	vadd.f32 v46, v3;
	v17 =	vmul.f32 v20, v17  }
0xd6: {  	s18 =	sadd.s32 $0x17B00, s14;
	v6 =	vmul.f32 v15, v6;
	v55 =	vsub.f32 $1.500000000e+00, v53;
	v7 =	vadd.f32 v12, v7;
	v12 =	vld [tilespmem:s19+$0x0]  }
0xd7: {  	s15 =	sor.u32 s26, s18;
	v15 =	vld [tilespmem:s9+$0x380];
	v13 =	vsub.f32 $1.500000000e+00, v13;
	v3 =	vadd.f32 v51, v3;
	v56 =	vmul.f32 v17, v9  }
0xd8: {  	v8 =	vadd.f32 v32, v8;
	v19 =	vmul.f32 v50, v55;
	s19 =	sor.u32 s5, s16;
	s16 =	sadd.s32 $0x17B80, s14;
	v5 =	vadd.f32 v5, v7;
	v7 =	vld [tilespmem:s15+$0x0]  }
0xd9: {  	v18 =	vmul.f32 v6, v33;
	v57 =	vld [tilespmem:s19+$0x0];
	s15 =	sor.u32 s26, s16;
	v3 =	vadd.f32 v52, v3;
	v58 =	vmul.f32 v56, v17  }
0xda: {  	v8 =	vadd.f32 v11, v8;
	s19 =	sor.u32 s5, s18;
	s18 =	sadd.s32 $0x17C00, s14;
	v59 =	vmul.f32 v19, v48;
	v11 =	vld [tilespmem:s15+$0x0];
	v5 =	vadd.f32 v54, v5  }
0xdb: {  	v18 =	vmul.f32 v18, v6;
	s15 =	sor.u32 s26, s18;
	v3 =	vadd.f32 v12, v3;
	v12 =	vld [tilespmem:s19+$0x0];
	v21 =	vsub.f32 $1.500000000e+00, v58  }
0xdc: {  	v10 =	vmul.f32 v13, v10;
	v20 =	vmul.f32 v59, v19;
	s19 =	sor.u32 s5, s16;
	s16 =	sadd.s32 $0x17C80, s14;
	v5 =	vadd.f32 v15, v5;
	v15 =	vld [tilespmem:s15+$0x0]  }
0xdd: {  	s0 =	sand.u32 $0x380, s0;
	v13 =	vsub.f32 $1.500000000e+00, v18;
	v60 =	vld [tilespmem:s19+$0x0];
	s19 =	sor.u32 s26, s16;
	v7 =	vadd.f32 v7, v3;
	v3 =	vmul.f32 v21, v17  }
0xde: {  	s1 =	sor.u32 s1, s0;
	s18 =	sor.u32 s5, s18;
	v62 =	vsub.f32 $1.500000000e+00, v20;
	s15 =	sadd.s32 $0x17D00, s14;
	v61 =	vld [tilespmem:s19+$0x0];
	v5 =	vadd.f32 v57, v5  }
0xdf: {  	s0 =	simm.s32 $0x6;
	s2 =	sand.u32 $0x380, s2;
	v2 =	vadd.f32 v2, v8;
	s19 =	sor.u32 s26, s15;
	v11 =	vadd.f32 v11, v7;
	v7 =	vld [tilespmem:s18+$0x0];
	v63 =	vmul.f32 v3, v9  }
0xe0: {  	s2 =	sor.u32 s3, s2;
	v6 =	vmul.f32 v13, v6;
	s16 =	sor.u32 s5, s16;
	v8 =	vld [tilespmem:s19+$0x0];
	s18 =	sadd.s32 $0x17D80, s14;
	v12 =	vadd.f32 v12, v5;
	v5 =	vmul.f32 v62, v19  }
0xe1: {  	s3 =	simm.s32 $0x80;
	[tilespmem:s1+$0x18E80] =	vst v14;
	s9 =	simm.s32 $0x18E80;
	v9 =	vld [tilespmem:s16+$0x0];
	s16 =	sor.u32 s26, s18;
	v13 =	vadd.f32 v15, v11;
	v14 =	vmul.f32 v63, v3  }
0xe2: {  	s1 =	sor.u32 s10, s11;
	v2 =	vadd.f32 v4, v2;
	[tilespmem:s9+$0x0] =	vst v6;
	s19 =	sor.u32 s5, s15;
	s15 =	sadd.s32 $0x17E00, s14;
	v11 =	vld [tilespmem:s16+$0x0];
	v12 =	vadd.f32 v60, v12;
	v6 =	vmul.f32 v5, v48  }
0xe3: {  	[tilespmem:s2+$0x18E80] =	vst v10;
	s2 =	simm.s32 $0x400;
	v10 =	vld [tilespmem:s19+$0x0];
	s14 =	sor.u32 s26, s15;
	s11 =	sor.u32 s5, s18;
	v13 =	vadd.f32 v61, v13;
	v4 =	vsub.f32 $1.500000000e+00, v14  }
.LBB2_8:
0xe4: {  	s16 =	sand.u32 $0x60, s3;
	s10 =	sand.u32 $0x1C00, s2;
	v7 =	vadd.f32 v7, v12;
	v12 =	vld [tilespmem:s14+$0x0];
	s18 =	sand.u32 $0x380, s31;
	v6 =	vmul.f32 v6, v5  }
0xe5: {  	s0 =	sadd.s32 $0x2, s0;
	s31 =	sadd.s32 $0x16680, s10;
	s19 =	sor.u32 $0x10, s16;
	v14 =	vld [tilespmem:s11+$0x0];
	v8 =	vadd.f32 v8, v13;
	v3 =	vmul.f32 v4, v3  }
0xe6: {  	p1 =	slt.u32 s0, $0x26;
	s18 =	sor.u32 s30, s18;
	s14 =	sor.u32 s19, s31;
	v4 =	vadd.f32 v9, v7;
	v7 =	vld [tilespmem:s1+$0x0];
	v6 =	vsub.f32 $1.500000000e+00, v6  }
0xe7: {  	s11 =	sor.u32 s16, s31;
	s1 =	sor.u32 s5, s15;
	s5 =	smov.u32 s16;
	v9 =	vld [tilespmem:s14+$0x0];
	v8 =	vadd.f32 v11, v8;
	[tilespmem:s18+$0x18E80] =	vst v3  }
0xe8: {  	s30 =	smov.u32 s26;
	s26 =	smov.u32 s19;
	s31 =	smov.u32 s24;
	v3 =	vld [tilespmem:s14+$0x80];
	v4 =	vadd.f32 v10, v4;
	v5 =	vmul.f32 v6, v5  }
0xe9: {  	s9 =	sadd.s32 $0x20, s9;
	s24 =	smov.u32 s3;
	v6 =	vld [tilespmem:s11+$0x0];
	v8 =	vadd.f32 v12, v8  }
0xea: {  	v10 =	vld [tilespmem:s14+$0x100];
	v4 =	vadd.f32 v14, v4;
	[tilespmem:s9+$0x0] =	vst v5  }
0xeb: {  	v5 =	vld [tilespmem:s11+$0x80];
	v8 =	vadd.f32 $1.000000000e+00, v8;
	v7 =	vadd.f32 v7, v2  }
0xec: {  	v11 =	vld [tilespmem:s14+$0x180];
	v2 =	vmov v4  }
0xed: {  	v4 =	vld [tilespmem:s11+$0x100];
	v3 =	vadd.f32 v3, v9;
	v9 =	vshra.s32 v8, $0x1;
	v8 =	vmul.f32 $5.000000000e-01, v8  }
0xee: {  	v7 =	vadd.f32 $1.000000000e+00, v7;
	v12 =	vld [tilespmem:s14+$0x200];
	v9 =	vsub.s32 $0x5F3759DF, v9  }
0xef: {  	v13 =	vld [tilespmem:s11+$0x180];
	v3 =	vadd.f32 v10, v3;
	v10 =	vmul.f32 v9, v8  }
0xf0: {  	v14 =	vshra.s32 v7, $0x1;
	v15 =	vmul.f32 $5.000000000e-01, v7;
	v5 =	vadd.f32 v5, v6;
	v6 =	vld [tilespmem:s14+$0x280]  }
0xf1: {  	v7 =	vld [tilespmem:s11+$0x200];
	v3 =	vadd.f32 v11, v3;
	v10 =	vmul.f32 v9, v10;
	v11 =	vsub.s32 $0x5F3759DF, v14  }
0xf2: {  	v4 =	vadd.f32 v4, v5;
	v5 =	vld [tilespmem:s14+$0x300];
	v14 =	vmul.f32 v11, v15  }
0xf3: {  	v16 =	vld [tilespmem:s11+$0x280];
	v3 =	vadd.f32 v12, v3;
	v10 =	vsub.f32 $1.500000000e+00, v10  }
0xf4: {  	s15 =	sadd.s32 $0x17A80, s10;
	v4 =	vadd.f32 v13, v4;
	v12 =	vld [tilespmem:s14+$0x380];
	v13 =	vmul.f32 v11, v14  }
0xf5: {  	s14 =	sor.u32 s5, s15;
	s15 =	sor.u32 s26, s15;
	v14 =	vld [tilespmem:s11+$0x300];
	v3 =	vadd.f32 v6, v3;
	v6 =	vmul.f32 v9, v10  }
0xf6: {  	s16 =	sadd.s32 $0x17B00, s10;
	v4 =	vadd.f32 v7, v4;
	v7 =	vld [tilespmem:s15+$0x0];
	v9 =	vsub.f32 $1.500000000e+00, v13  }
0xf7: {  	s15 =	sor.u32 s26, s16;
	v10 =	vld [tilespmem:s11+$0x380];
	s11 =	sor.u32 s5, s16;
	v3 =	vadd.f32 v5, v3;
	v5 =	vmul.f32 v6, v8  }
0xf8: {  	s16 =	sadd.s32 $0x17B80, s10;
	v4 =	vadd.f32 v16, v4;
	v13 =	vld [tilespmem:s15+$0x0];
	v9 =	vmul.f32 v11, v9  }
0xf9: {  	s15 =	sor.u32 s26, s16;
	v11 =	vld [tilespmem:s14+$0x0];
	s14 =	sor.u32 s5, s16;
	v3 =	vadd.f32 v12, v3;
	v5 =	vmul.f32 v5, v6  }
0xfa: {  	s16 =	sadd.s32 $0x17C00, s10;
	v4 =	vadd.f32 v14, v4;
	v12 =	vld [tilespmem:s15+$0x0];
	v14 =	vmul.f32 v9, v15  }
0xfb: {  	s15 =	sor.u32 s26, s16;
	v16 =	vld [tilespmem:s11+$0x0];
	s11 =	sor.u32 s5, s16;
	v3 =	vadd.f32 v7, v3;
	v5 =	vsub.f32 $1.500000000e+00, v5  }
0xfc: {  	s16 =	sadd.s32 $0x17C80, s10;
	v4 =	vadd.f32 v10, v4;
	v10 =	vld [tilespmem:s15+$0x0];
	v7 =	vmul.f32 v14, v9  }
0xfd: {  	s15 =	sor.u32 s26, s16;
	v14 =	vld [tilespmem:s14+$0x0];
	s14 =	sor.u32 s5, s16;
	v13 =	vadd.f32 v13, v3;
	v3 =	vmul.f32 v5, v6  }
0xfe: {  	s16 =	sadd.s32 $0x17D00, s10;
	v4 =	vadd.f32 v11, v4;
	v17 =	vld [tilespmem:s15+$0x0];
	v5 =	vsub.f32 $1.500000000e+00, v7  }
.Ltmp3:
0xff: {  	s18 =	sor.u32 s5, s16;
	v7 =	vld [tilespmem:s11+$0x0];
	v6 =	vadd.f32 v12, v13;
	s11 =	sor.u32 s26, s16;
	v11 =	vmul.f32 v3, v8;
	(pc) =	sbr.rel @p1 .LBB2_8-.Ltmp3, $4  }
0x100: {  	s15 =	sadd.s32 $0x17D80, s10;
	v4 =	vadd.f32 v16, v4;
	v8 =	vld [tilespmem:s11+$0x0];
	v5 =	vmul.f32 v5, v9  }
0x101: {  	s11 =	sor.u32 s5, s15;
	v9 =	vld [tilespmem:s14+$0x0];
	v13 =	vadd.f32 v10, v6;
	s14 =	sor.u32 s26, s15;
	v16 =	vmul.f32 v11, v3  }
0x102: {  	s15 =	sadd.s32 $0x17E00, s10;
	v12 =	vadd.f32 v14, v4;
	v11 =	vld [tilespmem:s14+$0x0];
	v6 =	vmul.f32 v5, v15  }
0x103: {  	s2 =	sadd.s32 $0x100, s2;
	s3 =	sadd.s32 $0x20, s3;
	s14 =	sor.u32 s26, s15;
	v10 =	vld [tilespmem:s18+$0x0];
	v13 =	vadd.f32 v17, v13;
	v4 =	vsub.f32 $1.500000000e+00, v16  }
0x104: {  	v47 =	vld [tilespmem:s14+$0x0]  }
0x105: {  	v7 =	vadd.f32 v7, v12;
	v14 =	vld [tilespmem:s11+$0x0]  }
0x106: {  	v48 =	vld [tilespmem:s1+$0x0];
	v8 =	vadd.f32 v8, v13  }
0x107: {  	s0 =	sor.u32 s5, s15;
	v7 =	vadd.f32 v9, v7  }
0x108: {  	v49 =	vld [tilespmem:s0+$0x0];
	v8 =	vadd.f32 v11, v8  }
0x109: {  	v7 =	vadd.f32 v10, v7  }
0x10a: {  	v8 =	vadd.f32 v47, v8  }
0x10b: {  	v2 =	vadd.f32 v48, v2;
	v7 =	vadd.f32 v14, v7  }
0x10c: {  	v8 =	vadd.f32 $1.000000000e+00, v8  }
0x10d: {  	v2 =	vadd.f32 $1.000000000e+00, v2;
	v7 =	vadd.f32 v49, v7  }
0x10e: {  	v50 =	vshra.s32 v8, $0x1  }
0x10f: {  	v8 =	vmul.f32 $5.000000000e-01, v8;
	v52 =	vshra.s32 v2, $0x1;
	v7 =	vadd.f32 $1.000000000e+00, v7  }
0x110: {  	v2 =	vmul.f32 $5.000000000e-01, v2;
	v9 =	vsub.s32 $0x5F3759DF, v50;
	v11 =	vsub.s32 $0x5F3759DF, v52  }
0x111: {  	v51 =	vmul.f32 v9, v8;
	v53 =	vshra.s32 v7, $0x1;
	v7 =	vmul.f32 $5.000000000e-01, v7  }
0x112: {  	v54 =	vmul.f32 v11, v2;
	v12 =	vsub.s32 $0x5F3759DF, v53  }
0x113: {  	v10 =	vmul.f32 v9, v51;
	v55 =	vmul.f32 v12, v7  }
0x114: {  	v13 =	vmul.f32 v11, v54  }
0x115: {  	v10 =	vsub.f32 $1.500000000e+00, v10;
	v14 =	vmul.f32 v12, v55  }
0x116: {  	v13 =	vsub.f32 $1.500000000e+00, v13  }
0x117: {  	v9 =	vmul.f32 v9, v10;
	v56 =	vsub.f32 $1.500000000e+00, v14  }
0x118: {  	v11 =	vmul.f32 v11, v13  }
0x119: {  	v57 =	vmul.f32 v9, v8;
	v10 =	vmul.f32 v12, v56  }
0x11a: {  	v58 =	vmul.f32 v11, v2  }
0x11b: {  	v13 =	vmul.f32 v57, v9;
	v59 =	vmul.f32 v10, v7  }
0x11c: {  	v12 =	vmul.f32 v58, v11  }
0x11d: {  	v13 =	vsub.f32 $1.500000000e+00, v13;
	v14 =	vmul.f32 v59, v10  }
0x11e: {  	v12 =	vsub.f32 $1.500000000e+00, v12  }
0x11f: {  	v9 =	vmul.f32 v13, v9;
	v60 =	vsub.f32 $1.500000000e+00, v14  }
0x120: {  	v11 =	vmul.f32 v12, v11  }
0x121: {  	v8 =	vmul.f32 v9, v8;
	v10 =	vmul.f32 v60, v10  }
0x122: {  	v6 =	vmul.f32 v6, v5;
	v2 =	vmul.f32 v11, v2  }
0x123: {  	v8 =	vmul.f32 v8, v9;
	v7 =	vmul.f32 v10, v7  }
0x124: {  	v6 =	vsub.f32 $1.500000000e+00, v6;
	v2 =	vmul.f32 v2, v11  }
0x125: {  	s18 =	sand.u32 $0x380, s31;
	v3 =	vmul.f32 v4, v3;
	v61 =	vsub.f32 $1.500000000e+00, v8;
	v7 =	vmul.f32 v7, v10  }
0x126: {  	s0 =	sor.u32 s30, s18;
	v62 =	vmul.f32 v6, v5;
	v2 =	vsub.f32 $1.500000000e+00, v2  }
0x127: {  	s19 =	sadd.s32 $0x20, s9;
	s30 =	sand.u32 $0x380, s24;
	[tilespmem:s0+$0x18E80] =	vst v3;
	v3 =	vmul.f32 v61, v9;
	v63 =	vsub.f32 $1.500000000e+00, v7  }
0x128: {  	s1 =	sor.u32 s26, s30;
	[tilespmem:s19+$0x0] =	vst v62;
	v2 =	vmul.f32 v2, v11  }
0x129: {  	s0 =	sadd.s32 $0x20, s19;
	[tilespmem:s1+$0x18E80] =	vst v3;
	v3 =	vmul.f32 v63, v10  }
0x12a: {  	[tilespmem:s0+$0x0] =	vst v2;
	s0 =	sadd.s32 $0x20, s0  }
0x12b: {  	s31 =	simm.s32 $0x18E80;
	[tilespmem:s0+$0x0] =	vst v3  }
0x12c: {  	[spmem:s8] =	stream.linear.scatter [tilespmem:s31], [sflag:$0x2], $0x280, $0x38;
	[tilespmem:$0x1BE00] =	vst v63  }
0x12d: {  	_ =	swait.ge [sflag:s20], $0x280  }
0x12e: {  	[sflag:s20] =	ssyncset.done $0x0  }
0x12f: {  	[sflag:s20] =	ssyncadd.s32 $0xFFFFFD80  }
0x130: {  	[bflag:$0x0] =	sbarrier.arrive $0xFFFF  }
0x131: {  	[tilespmem:s25], [sflag:$0x2] =	stream.linear.gather [spmem:s21], $0x2800, $0x38;
	[tilespmem:$0x1BE00] =	vst v63  }
0x132: {  	_ =	swait.ge [sflag:s20], $0x2800  }
0x133: {  	[sflag:s20] =	ssyncset.done $0x0  }
0x134: {  	s0 =	simm.s32 $0x13EA0;
	[sflag:s20] =	ssyncadd.s32 $0xFFFFD800  }
0x135: {  	[tilespmem:s0+$0xFFFFFFE0] =	vst v0  }
0x136: {  	[tilespmem:s0+$0x10] =	vst v0  }
0x137: {  	s1 =	simm.s32 $0x0;
	[tilespmem:s0+$0x0] =	vst v0  }
.LBB2_10:
0x138: {  	s1 =	sadd.s32 $0x4, s1  }
0x139: {  	[tilespmem:s0+$0xFFFFFFF0] =	vst v0;
	s0 =	sadd.s32 $0x40, s0;
	p1 =	slt.u32 s1, $0x27C  }
.Ltmp4:
0x13a: {  	[tilespmem:s0+$0xFFFFFFE0] =	vst v0;
	(pc) =	sbr.rel @p1 .LBB2_10-.Ltmp4, $3  }
0x13b: {  	_ =	sdelay $0x1  }
0x13c: {  	[tilespmem:s0+$0x10] =	vst v0  }
0x13d: {  	[tilespmem:s0+$0x0] =	vst v0  }
0x13e: {  	[tilespmem:s0+$0xFFFFFFF0] =	vst v0;
	s24 =	simm.s32 $0xA020  }
0x13f: {  	v2 =	vld [tilespmem:s24+$0x10]  }
0x140: {  	v3 =	vld [tilespmem:s24+$0xFFFFFFF0];
	_ =	sdelay $0x1  }
0x141: {  	v5 =	vld [tilespmem:s24+$0xFFFFFFE0]  }
0x142: {  	v6 =	vld [tilespmem:s24+$0x0]  }
0x143: {  	v4 =	vand.u32 $0xFFFF, v2  }
0x144: {  	s26 =	simm.s32 $0xA060;
	v7 =	vand.u32 $0xFFFF, v3  }
0x145: {  	v13 =	vld [tilespmem:s26+$0x10]  }
0x146: {  	v10 =	vld [tilespmem:s26+$0xFFFFFFF0];
	v8 =	vand.u32 $0xFFFF, v5  }
0x147: {  	v14 =	vld [tilespmem:s26+$0xFFFFFFE0];
	v11 =	vand.u32 $0xFFFF, v6  }
0x148: {  	v2 =	vshrl.u32 v2, $0x10;
	v4 =	vld.idx.msk [tilespmem:v4+s25+$0x0], $0xffff  }
0x149: {  	v3 =	vshrl.u32 v3, $0x10;
	v7 =	vld.idx.msk [tilespmem:v7+s25+$0x0], $0xffff  }
0x14a: {  	v12 =	vld [tilespmem:s26+$0x0];
	v15 =	vand.u32 $0xFFFF, v13  }
0x14b: {  	v16 =	vand.u32 $0xFFFF, v10;
	v9 =	vld.idx.msk [tilespmem:v8+s25+$0x0], $0xffff  }
0x14c: {  	v8 =	vld.idx.msk [tilespmem:v11+s25+$0x0], $0xffff  }
0x14d: {  	[tilespmem:v2+s17+$0x0] =	vst.idx.add.f32.msk $0xffff, v4  }
0x14e: {  	v13 =	vshrl.u32 v13, $0x10;
	v11 =	vand.u32 $0xFFFF, v14;
	[tilespmem:v3+s17+$0x0] =	vst.idx.add.f32.msk $0xffff, v7  }
0x14f: {  	s0 =	simm.s32 $0x4;
	v2 =	vshrl.u32 v6, $0x10;
	v6 =	vand.u32 $0xFFFF, v12;
	v3 =	vshrl.u32 v12, $0x10;
	v12 =	vld.idx.msk [tilespmem:v15+s25+$0x0], $0xffff  }
0x150: {  	s1 =	simm.s32 $0xA0A0;
	s30 =	simm.s32 $0x80;
	s31 =	simm.s32 $0x400;
	v4 =	vshrl.u32 v5, $0x10;
	v5 =	vshrl.u32 v10, $0x10;
	v7 =	vshrl.u32 v14, $0x10;
	v10 =	vld.idx.msk [tilespmem:v16+s25+$0x0], $0xffff  }
.LBB2_12:
0x151: {  	v14 =	vld [tilespmem:s1+$0x10];
	s0 =	sadd.s32 $0x4, s0;
	v15 =	vmov v8  }
0x152: {  	v8 =	vld [tilespmem:s1+$0xFFFFFFF0];
	p1 =	slt.u32 s0, $0x4DC  }
0x153: {  	v16 =	vld [tilespmem:s1+$0x0]  }
0x154: {  	v17 =	vld [tilespmem:s1+$0xFFFFFFE0]  }
0x155: {  	[tilespmem:v13+s17+$0x0] =	vst.idx.add.f32.msk $0xffff, v12  }
0x156: {  	v12 =	vand.u32 $0xFFFF, v14;
	v18 =	vld.idx.msk [tilespmem:v11+s25+$0x0], $0xffff  }
0x157: {  	v13 =	vand.u32 $0xFFFF, v8;
	v19 =	vshrl.u32 v8, $0x10;
	v8 =	vld.idx.msk [tilespmem:v6+s25+$0x0], $0xffff  }
.Ltmp5:
0x158: {  	v6 =	vand.u32 $0xFFFF, v16;
	v16 =	vshrl.u32 v16, $0x10;
	[tilespmem:v4+s17+$0x0] =	vst.idx.add.f32.msk $0xffff, v9;
	v4 =	vmov v7;
	(pc) =	sbr.rel @p1 .LBB2_12-.Ltmp5, $4  }
0x159: {  	v11 =	vand.u32 $0xFFFF, v17;
	v7 =	vshrl.u32 v17, $0x10;
	[tilespmem:v5+s17+$0x0] =	vst.idx.add.f32.msk $0xffff, v10;
	v5 =	vmov v19  }
0x15a: {  	[tilespmem:v2+s17+$0x0] =	vst.idx.add.f32.msk $0xffff, v15;
	v2 =	vmov v3;
	v3 =	vmov v16  }
0x15b: {  	v12 =	vld.idx.msk [tilespmem:v12+s25+$0x0], $0xffff  }
0x15c: {  	s1 =	sadd.s32 $0x40, s1;
	v9 =	vmov v18;
	v10 =	vld.idx.msk [tilespmem:v13+s25+$0x0], $0xffff;
	v13 =	vshrl.u32 v14, $0x10  }
0x15d: {  	_ =	sdelay $0x3  }
0x15e: {  	v11 =	vld.idx.msk [tilespmem:v11+s25+$0x0], $0xffff  }
0x15f: {  	v6 =	vld.idx.msk [tilespmem:v6+s25+$0x0], $0xffff  }
0x160: {  	[tilespmem:v4+s17+$0x0] =	vst.idx.add.f32.msk $0xffff, v9  }
0x161: {  	[tilespmem:v2+s17+$0x0] =	vst.idx.add.f32.msk $0xffff, v8  }
0x162: {  	[tilespmem:v13+s17+$0x0] =	vst.idx.add.f32.msk $0xffff, v12  }
0x163: {  	[tilespmem:v5+s17+$0x0] =	vst.idx.add.f32.msk $0xffff, v10  }
0x164: {  	[tilespmem:v7+s17+$0x0] =	vst.idx.add.f32.msk $0xffff, v11  }
0x165: {  	s0 =	simm.s32 $0x0;
	[tilespmem:v3+s17+$0x0] =	vst.idx.add.f32.msk $0xffff, v6  }
.LBB2_14:
0x166: {  	s1 =	sshra.s32 s0, $0x2  }
0x167: {  	v2 =	vld [tilespmem:s1+$0xEE00];
	_ =	sdelay $0x4  }
0x168: {  	v3 =	vand.u32 $0xFFFF, v2;
	_ =	sdelay $0x4  }
0x169: {  	p1 =	sne.s32 s0, $0x40;
	v2 =	vshrl.u32 v2, $0x10;
	v3 =	vld.idx.msk [tilespmem:v3+s25+$0x0], $0xffff  }
.Ltmp6:
0x16a: {  	_ = 	snop;
	(pc) =	sbr.rel @p1 .LBB2_14-.Ltmp6, $2  }
0x16b: {  	_ =	sdelay $0x2  }
0x16c: {  	s0 =	sadd.s32 $0x40, s0;
	[tilespmem:v2+s17+$0x0] =	vst.idx.add.f32.msk $0xffff, v3  }
0x16d: {  	[spmem:s6] =	stream.strided.scatter [tilespmem:s17], [sflag:$0x2], $0x2800, s31, s30, $0x38;
	[tilespmem:$0x1BE00] =	vst v63  }
0x16e: {  	_ =	swait.ge [sflag:s20], $0x2800  }
0x16f: {  	[sflag:s20] =	ssyncset.done $0x0  }
0x170: {  	[sflag:s20] =	ssyncadd.s32 $0xFFFFD800  }
0x171: {  	s0 =	simm.s32 $0x1400;
	s19 =	simm.s32 $0x0;
	[bflag:$0x0] =	sbarrier.arrive $0xFFFF  }
0x172: {  	[tilespmem:s23], [sflag:$0x2] =	stream.strided.gather [spmem:s7], $0x2800, s22, s0, $0x38;
	[tilespmem:$0x1BE00] =	vst v63  }
0x173: {  	s1 =	simm.s32 $0x10;
	s2 =	sand.u32 $0x1C00, s19;
	_ =	swait.ge [sflag:s20], $0x2800  }
0x174: {  	s3 =	sadd.s32 $0x16680, s2;
	s0 =	sand.u32 $0x70, s1;
	[sflag:s20] =	ssyncset.done $0x0  }
0x175: {  	s24 =	simm.s32 $0x0;
	s5 =	sor.u32 s0, s3;
	[sflag:s20] =	ssyncadd.s32 $0xFFFFD800  }
0x176: {  	s1 =	sand.u32 $0x60, s24;
	v2 =	vld [tilespmem:s5+$0x0]  }
0x177: {  	s3 =	sor.u32 s1, s3;
	v3 =	vld [tilespmem:s5+$0x80]  }
0x178: {  	v4 =	vld [tilespmem:s3+$0x0]  }
0x179: {  	v5 =	vld [tilespmem:s5+$0x100]  }
0x17a: {  	v6 =	vld [tilespmem:s3+$0x80]  }
0x17b: {  	v7 =	vld [tilespmem:s5+$0x180]  }
0x17c: {  	v8 =	vld [tilespmem:s3+$0x100]  }
0x17d: {  	v9 =	vld [tilespmem:s5+$0x200]  }
0x17e: {  	v10 =	vld [tilespmem:s3+$0x180]  }
0x17f: {  	v11 =	vld [tilespmem:s5+$0x280]  }
0x180: {  	v12 =	vld [tilespmem:s3+$0x200]  }
0x181: {  	v13 =	vld [tilespmem:s5+$0x300]  }
0x182: {  	v14 =	vld [tilespmem:s3+$0x280]  }
0x183: {  	s9 =	sadd.s32 $0x17A80, s2;
	v15 =	vld [tilespmem:s5+$0x380]  }
0x184: {  	s26 =	sor.u32 s0, s9;
	v16 =	vld [tilespmem:s3+$0x300]  }
0x185: {  	v17 =	vld [tilespmem:s26+$0x0]  }
0x186: {  	s14 =	sadd.s32 $0x17B80, s2;
	s11 =	sor.u32 s1, s9;
	v18 =	vld [tilespmem:s3+$0x380]  }
0x187: {  	s10 =	sadd.s32 $0x17B00, s2;
	s15 =	sor.u32 s0, s14;
	v20 =	vld [tilespmem:s11+$0x0]  }
0x188: {  	s18 =	sadd.s32 $0x17C00, s2;
	s16 =	sor.u32 s1, s10;
	v21 =	vld [tilespmem:s15+$0x0]  }
0x189: {  	s19 =	sor.u32 s0, s18;
	v22 =	vld [tilespmem:s16+$0x0]  }
0x18a: {  	s24 =	sor.u32 s1, s14;
	v23 =	vld [tilespmem:s19+$0x0]  }
0x18b: {  	s5 =	sor.u32 s0, s10;
	v24 =	vld [tilespmem:s24+$0x0]  }
0x18c: {  	s26 =	sadd.s32 $0x17C80, s2;
	s11 =	sor.u32 s1, s18;
	v19 =	vld [tilespmem:s5+$0x0]  }
0x18d: {  	s5 =	sor.u32 s0, s26;
	v26 =	vld [tilespmem:s11+$0x0]  }
0x18e: {  	s14 =	sadd.s32 $0x17D00, s2;
	s16 =	sor.u32 s1, s26;
	v25 =	vld [tilespmem:s5+$0x0];
	v2 =	vadd.f32 v3, v2  }
0x18f: {  	s15 =	sor.u32 s0, s14;
	v27 =	vld [tilespmem:s16+$0x0]  }
0x190: {  	s18 =	sadd.s32 $0x17D80, s2;
	s24 =	sor.u32 s1, s14;
	v3 =	vld [tilespmem:s15+$0x0];
	v2 =	vadd.f32 v5, v2  }
0x191: {  	s19 =	sor.u32 s0, s18;
	v4 =	vadd.f32 v6, v4;
	v6 =	vld [tilespmem:s24+$0x0]  }
0x192: {  	s26 =	sadd.s32 $0x17E00, s2;
	s2 =	sadd.s32 $0x10, s4;
	s9 =	sor.u32 s1, s18;
	v5 =	vld [tilespmem:s19+$0x0];
	v2 =	vadd.f32 v7, v2  }
0x193: {  	s14 =	simm.s32 $0x100;
	s5 =	sor.u32 s0, s26;
	s10 =	sand.u32 $0x7F80, s2;
	v4 =	vadd.f32 v8, v4;
	v8 =	vld [tilespmem:s9+$0x0]  }
0x194: {  	s11 =	sor.u32 s1, s26;
	s0 =	sor.u32 s0, s10;
	v7 =	vld [tilespmem:s5+$0x0];
	s5 =	sadd.s32 $0xFFFFFFF0, s2;
	v2 =	vadd.f32 v9, v2  }
0x195: {  	s10 =	sand.u32 $0x1C00, s14;
	v4 =	vadd.f32 v10, v4;
	s15 =	sand.u32 $0x7F80, s5;
	v9 =	vld [tilespmem:s0+$0xEE80];
	s0 =	simm.s32 $0x30  }
0x196: {  	s3 =	sadd.s32 $0x16680, s10;
	v10 =	vld [tilespmem:s11+$0x0];
	s1 =	sor.u32 s1, s15;
	s9 =	sand.u32 $0x70, s0;
	v2 =	vadd.f32 v11, v2  }
0x197: {  	v4 =	vadd.f32 v12, v4;
	s14 =	sor.u32 s9, s3;
	v11 =	vld [tilespmem:s1+$0xEE80]  }
0x198: {  	s16 =	simm.s32 $0x20;
	v44 =	vld [tilespmem:s14+$0x0];
	v2 =	vadd.f32 v13, v2  }
0x199: {  	s1 =	sand.u32 $0x60, s16;
	v4 =	vadd.f32 v14, v4;
	v45 =	vld [tilespmem:s14+$0x80]  }
0x19a: {  	s3 =	sor.u32 s1, s3;
	v47 =	vld [tilespmem:s14+$0x100];
	v2 =	vadd.f32 v15, v2  }
0x19b: {  	v46 =	vld [tilespmem:s3+$0x0];
	v4 =	vadd.f32 v16, v4  }
0x19c: {  	v48 =	vld [tilespmem:s3+$0x80];
	v2 =	vadd.f32 v17, v2  }
0x19d: {  	v49 =	vld [tilespmem:s14+$0x180];
	v4 =	vadd.f32 v18, v4  }
0x19e: {  	v50 =	vld [tilespmem:s3+$0x100];
	v12 =	vadd.f32 v45, v44;
	v2 =	vadd.f32 v19, v2  }
0x19f: {  	v51 =	vld [tilespmem:s14+$0x200];
	v4 =	vadd.f32 v20, v4  }
0x1a0: {  	v52 =	vld [tilespmem:s3+$0x180];
	v12 =	vadd.f32 v47, v12;
	v2 =	vadd.f32 v21, v2  }
0x1a1: {  	v53 =	vld [tilespmem:s14+$0x280];
	v14 =	vadd.f32 v48, v46;
	v4 =	vadd.f32 v22, v4  }
0x1a2: {  	v54 =	vld [tilespmem:s3+$0x200];
	v12 =	vadd.f32 v49, v12;
	v2 =	vadd.f32 v23, v2  }
0x1a3: {  	v55 =	vld [tilespmem:s14+$0x300];
	v13 =	vadd.f32 v50, v14;
	v4 =	vadd.f32 v24, v4  }
0x1a4: {  	v56 =	vld [tilespmem:s3+$0x280];
	v12 =	vadd.f32 v51, v12;
	v2 =	vadd.f32 v25, v2  }
0x1a5: {  	s18 =	sadd.s32 $0x17A80, s10;
	v57 =	vld [tilespmem:s14+$0x380];
	v13 =	vadd.f32 v52, v13;
	v4 =	vadd.f32 v26, v4  }
0x1a6: {  	s19 =	sor.u32 s9, s18;
	v58 =	vld [tilespmem:s3+$0x300];
	v12 =	vadd.f32 v53, v12;
	v2 =	vadd.f32 v3, v2  }
0x1a7: {  	s15 =	sadd.s32 $0x17B00, s10;
	v13 =	vadd.f32 v54, v13;
	v3 =	vadd.f32 v27, v4;
	v4 =	vld [tilespmem:s19+$0x0]  }
0x1a8: {  	s24 =	sor.u32 s9, s15;
	v59 =	vld [tilespmem:s3+$0x380];
	v12 =	vadd.f32 v55, v12;
	v2 =	vadd.f32 v5, v2  }
0x1a9: {  	s26 =	sadd.s32 $0x17B80, s10;
	s11 =	sor.u32 s1, s18;
	v3 =	vadd.f32 v6, v3;
	v5 =	vld [tilespmem:s24+$0x0];
	v6 =	vadd.f32 v56, v13  }
0x1aa: {  	v60 =	vld [tilespmem:s11+$0x0];
	s11 =	sor.u32 s9, s26;
	v12 =	vadd.f32 v57, v12;
	v2 =	vadd.f32 v7, v2  }
0x1ab: {  	s16 =	sor.u32 s1, s15;
	s18 =	sadd.s32 $0x17C00, s10;
	v3 =	vadd.f32 v8, v3;
	v7 =	vld [tilespmem:s11+$0x0];
	v6 =	vadd.f32 v58, v6  }
0x1ac: {  	s19 =	sor.u32 s9, s18;
	v8 =	vld [tilespmem:s16+$0x0];
	v4 =	vadd.f32 v4, v12;
	v2 =	vadd.f32 v2, v9  }
0x1ad: {  	s24 =	sor.u32 s1, s26;
	s26 =	sadd.s32 $0x17C80, s10;
	v3 =	vadd.f32 v10, v3;
	v10 =	vld [tilespmem:s19+$0x0];
	v6 =	vadd.f32 v59, v6  }
0x1ae: {  	v61 =	vld [tilespmem:s24+$0x0];
	s11 =	sor.u32 s9, s26;
	v4 =	vadd.f32 v5, v4  }
0x1af: {  	s16 =	sor.u32 s1, s18;
	s18 =	sadd.s32 $0x17D00, s10;
	v5 =	vld [tilespmem:s11+$0x0];
	v2 =	vmul.f32 v2, v9;
	v3 =	vadd.f32 v3, v11;
	v6 =	vadd.f32 v60, v6  }
0x1b0: {  	p1 =	slt.u32 s2, $0x2710;
	v62 =	vld [tilespmem:s16+$0x0];
	s19 =	sor.u32 s9, s18;
	v4 =	vadd.f32 v7, v4  }
0x1b1: {  	s2 =	simm.s32 $0x18E90;
	s24 =	sor.u32 s1, s26;
	s26 =	sadd.s32 $0x17D80, s10;
	v63 =	vld [tilespmem:s19+$0x0];
	v7 =	vpsel !p1, $0x0, v2;
	v3 =	vmul.f32 v3, v11;
	v6 =	vadd.f32 v8, v6  }
0x1b2: {  	p6 =	slt.u32 s5, $0x2710;
	s5 =	simm.s32 $0x2;
	s16 =	sor.u32 s9, s26;
	v2 =	vld [tilespmem:s24+$0x0];
	v9 =	vmul.f32 v7, v9;
	v8 =	vadd.f32 v10, v4  }
0x1b3: {  	s3 =	simm.s32 $0x19110;
	s10 =	sadd.s32 $0x17E00, s10;
	s15 =	sor.u32 s1, s18;
	[tilespmem:s2+$0x0] =	vst v7;
	v7 =	vpsel !p6, $0x0, v3;
	v3 =	vld [tilespmem:s16+$0x0];
	v6 =	vadd.f32 v61, v6  }
0x1b4: {  	s14 =	sadd.s32 $0x30, s4;
	s18 =	sor.u32 s1, s26;
	v4 =	vld [tilespmem:s15+$0x0];
	s16 =	sor.u32 s9, s10;
	[tilespmem:s3+$0x0] =	vst v9;
	v9 =	vmul.f32 v7, v11;
	v10 =	vadd.f32 v5, v8  }
0x1b5: {  	s19 =	sand.u32 $0x7F80, s14;
	s24 =	sadd.s32 $0xFFFFFFF0, s14;
	s15 =	sor.u32 s1, s10;
	[tilespmem:s2+$0xFFFFFFF0] =	vst v7;
	v5 =	vld [tilespmem:s16+$0x0];
	v8 =	vadd.f32 v62, v6  }
0x1b6: {  	s26 =	sand.u32 $0x7F80, s24;
	s10 =	sor.u32 s9, s19;
	s9 =	simm.s32 $0x200;
	v6 =	vld [tilespmem:s18+$0x0];
	[tilespmem:s3+$0xFFFFFFF0] =	vst v9;
	v7 =	vadd.f32 v63, v10  }
.LBB2_16:
0x1b7: {  	s11 =	sand.u32 $0x1C00, s9;
	v2 =	vadd.f32 v2, v8;
	s1 =	sor.u32 s1, s26;
	v8 =	vld [tilespmem:s10+$0xEE80];
	s0 =	sadd.s32 $0x20, s0  }
0x1b8: {  	s5 =	sadd.s32 $0x2, s5;
	s16 =	sadd.s32 $0x16680, s11;
	s10 =	sand.u32 $0x70, s0;
	v9 =	vld [tilespmem:s15+$0x0];
	v3 =	vadd.f32 v3, v7  }
0x1b9: {  	s15 =	sadd.s32 $0xFFFFFFF0, s0;
	p1 =	slt.u32 s5, $0x26;
	s18 =	sor.u32 s10, s16;
	v2 =	vadd.f32 v4, v2;
	v4 =	vld [tilespmem:s1+$0xEE80]  }
0x1ba: {  	p2 =	slt.u32 s24, $0x2710;
	s1 =	sand.u32 $0x60, s15;
	v7 =	vld [tilespmem:s18+$0x0];
	v3 =	vadd.f32 v5, v3  }
0x1bb: {  	s15 =	sor.u32 s1, s16;
	v5 =	vld [tilespmem:s18+$0x80];
	v2 =	vadd.f32 v6, v2  }
0x1bc: {  	v6 =	vld [tilespmem:s15+$0x0];
	v3 =	vadd.f32 v3, v8  }
0x1bd: {  	v10 =	vld [tilespmem:s18+$0x100];
	v2 =	vadd.f32 v9, v2  }
0x1be: {  	v9 =	vld [tilespmem:s15+$0x80];
	v3 =	vmul.f32 v3, v8  }
0x1bf: {  	p3 =	slt.u32 s14, $0x2710;
	v11 =	vld [tilespmem:s18+$0x180];
	v2 =	vadd.f32 v2, v4  }
0x1c0: {  	v12 =	vld [tilespmem:s15+$0x100];
	v5 =	vadd.f32 v5, v7;
	v3 =	vpsel !p3, $0x0, v3  }
0x1c1: {  	s2 =	sadd.s32 $0x20, s2;
	v7 =	vld [tilespmem:s18+$0x200];
	v2 =	vmul.f32 v2, v4;
	v8 =	vmul.f32 v3, v8  }
0x1c2: {  	s3 =	sadd.s32 $0x20, s3;
	v13 =	vld [tilespmem:s15+$0x180];
	v5 =	vadd.f32 v10, v5;
	[tilespmem:s2+$0x0] =	vst v3  }
0x1c3: {  	v3 =	vadd.f32 v9, v6;
	v6 =	vld [tilespmem:s18+$0x280];
	v2 =	vpsel !p2, $0x0, v2;
	[tilespmem:s3+$0x0] =	vst v8  }
0x1c4: {  	v8 =	vld [tilespmem:s15+$0x200];
	v5 =	vadd.f32 v11, v5;
	[tilespmem:s2+$0xFFFFFFF0] =	vst v2;
	v2 =	vmul.f32 v2, v4  }
0x1c5: {  	v3 =	vadd.f32 v12, v3;
	v4 =	vld [tilespmem:s18+$0x300]  }
0x1c6: {  	v9 =	vld [tilespmem:s15+$0x280];
	v5 =	vadd.f32 v7, v5;
	[tilespmem:s3+$0xFFFFFFF0] =	vst v2  }
0x1c7: {  	s14 =	sadd.s32 $0x17A80, s11;
	v2 =	vadd.f32 v13, v3;
	v3 =	vld [tilespmem:s18+$0x380]  }
0x1c8: {  	s16 =	sor.u32 s1, s14;
	s14 =	sor.u32 s10, s14;
	v7 =	vld [tilespmem:s15+$0x300];
	v5 =	vadd.f32 v6, v5  }
0x1c9: {  	s18 =	sadd.s32 $0x17B00, s11;
	v2 =	vadd.f32 v8, v2;
	v6 =	vld [tilespmem:s14+$0x0]  }
0x1ca: {  	s14 =	sor.u32 s1, s18;
	v8 =	vld [tilespmem:s15+$0x380];
	v4 =	vadd.f32 v4, v5;
	s15 =	sor.u32 s10, s18  }
0x1cb: {  	s18 =	sadd.s32 $0x17B80, s11;
	v2 =	vadd.f32 v9, v2;
	v5 =	vld [tilespmem:s15+$0x0]  }
0x1cc: {  	s15 =	sor.u32 s1, s18;
	v9 =	vld [tilespmem:s16+$0x0];
	v3 =	vadd.f32 v3, v4;
	s16 =	sor.u32 s10, s18  }
0x1cd: {  	s18 =	sadd.s32 $0x17C00, s11;
	v2 =	vadd.f32 v7, v2;
	v4 =	vld [tilespmem:s16+$0x0]  }
0x1ce: {  	s16 =	sor.u32 s10, s18;
	v7 =	vld [tilespmem:s14+$0x0];
	s14 =	sor.u32 s1, s18;
	v3 =	vadd.f32 v6, v3  }
0x1cf: {  	s18 =	sadd.s32 $0x17C80, s11;
	v2 =	vadd.f32 v8, v2;
	v6 =	vld [tilespmem:s16+$0x0]  }
0x1d0: {  	s16 =	sor.u32 s10, s18;
	v8 =	vld [tilespmem:s15+$0x0];
	s15 =	sor.u32 s1, s18;
	v3 =	vadd.f32 v5, v3  }
0x1d1: {  	s18 =	sadd.s32 $0x17D00, s11;
	v2 =	vadd.f32 v9, v2;
	v5 =	vld [tilespmem:s16+$0x0]  }
0x1d2: {  	s16 =	sor.u32 s10, s18;
	v9 =	vld [tilespmem:s14+$0x0];
	s14 =	sor.u32 s1, s18;
	v3 =	vadd.f32 v4, v3  }
0x1d3: {  	s18 =	sadd.s32 $0x17D80, s11;
	v4 =	vadd.f32 v7, v2;
	v7 =	vld [tilespmem:s16+$0x0]  }
.Ltmp7:
0x1d4: {  	s16 =	sor.u32 s1, s18;
	v2 =	vld [tilespmem:s15+$0x0];
	v6 =	vadd.f32 v6, v3;
	s15 =	sor.u32 s10, s18;
	(pc) =	sbr.rel @p1 .LBB2_16-.Ltmp7, $4  }
0x1d5: {  	s11 =	sadd.s32 $0x17E00, s11;
	v8 =	vadd.f32 v8, v4;
	v3 =	vld [tilespmem:s15+$0x0]  }
0x1d6: {  	s15 =	sor.u32 s1, s11;
	s11 =	sor.u32 s10, s11;
	v4 =	vld [tilespmem:s14+$0x0];
	s14 =	sadd.s32 s0, s4;
	v10 =	vadd.f32 v5, v6  }
0x1d7: {  	v8 =	vadd.f32 v9, v8;
	s24 =	sadd.s32 $0xFFFFFFF0, s14;
	v5 =	vld [tilespmem:s11+$0x0];
	s11 =	sand.u32 $0x7F80, s14  }
0x1d8: {  	s9 =	sadd.s32 $0x100, s9;
	v6 =	vld [tilespmem:s16+$0x0];
	s26 =	sand.u32 $0x7F80, s24;
	v7 =	vadd.f32 v7, v10;
	s10 =	sor.u32 s10, s11  }
0x1d9: {  	v2 =	vadd.f32 v2, v8;
	v61 =	vld [tilespmem:s10+$0xEE80]  }
0x1da: {  	v9 =	vld [tilespmem:s15+$0x0]  }
0x1db: {  	s0 =	sor.u32 s1, s26;
	v3 =	vadd.f32 v3, v7;
	v2 =	vadd.f32 v4, v2  }
0x1dc: {  	v62 =	vld [tilespmem:s0+$0xEE80]  }
0x1dd: {  	v3 =	vadd.f32 v5, v3;
	v2 =	vadd.f32 v6, v2;
	_ =	sdelay $0x1  }
0x1de: {  	v3 =	vadd.f32 v3, v61;
	v2 =	vadd.f32 v9, v2;
	_ =	sdelay $0x1  }
0x1df: {  	v3 =	vmul.f32 v3, v61;
	v2 =	vadd.f32 v2, v62  }
0x1e0: {  	p1 =	slt.u32 s14, $0x2710  }
0x1e1: {  	v3 =	vpsel !p1, $0x0, v3;
	v2 =	vmul.f32 v2, v62  }
0x1e2: {  	p6 =	slt.u32 s24, $0x2710;
	s19 =	sadd.s32 $0x20, s2;
	v63 =	vmul.f32 v3, v61  }
0x1e3: {  	s24 =	sadd.s32 $0x20, s3;
	[tilespmem:s19+$0x0] =	vst v3;
	v2 =	vpsel !p6, $0x0, v2  }
0x1e4: {  	[tilespmem:s24+$0x0] =	vst v63;
	v3 =	vmul.f32 v2, v62  }
0x1e5: {  	[tilespmem:s19+$0xFFFFFFF0] =	vst v2  }
0x1e6: {  	[tilespmem:s24+$0xFFFFFFF0] =	vst v3  }
0x1e7: {  	s1 =	simm.s32 @!p0 $0x18E80;
	s0 =	simm.s32 @!p0 $0x0;
	s2 =	rddreg [dreg:$0x6]  }
0x1e8: {  	[hbm4b:s2+s0] =	stream.linear.scatter @!p0 [tilespmem:s1], [sflag:$0x2], $0x280, $0x38;
	[tilespmem:$0x1BE00] =	vst v63  }
0x1e9: {  	s0 =	simm.s32 @!p0 $0x2  }
0x1ea: {  	_ =	swait.ge @!p0 [sflag:s0], $0x280  }
0x1eb: {  	[sflag:s0] =	ssyncset.done @!p0 $0x0  }
0x1ec: {  	s26 =	simm.s32 $0x19100;
	[sflag:s0] =	ssyncadd.s32 @!p0 $0xFFFFFD80  }
0x1ed: {  	[spmem:s8] =	stream.linear.scatter [tilespmem:s26], [sflag:$0x2], $0x280, $0x38;
	[tilespmem:$0x1BE00] =	vst v63  }
0x1ee: {  	_ =	swait.ge [sflag:s20], $0x280  }
0x1ef: {  	[sflag:s20] =	ssyncset.done $0x0  }
0x1f0: {  	[sflag:s20] =	ssyncadd.s32 $0xFFFFFD80  }
0x1f1: {  	[bflag:$0x0] =	sbarrier.arrive $0xFFFF  }
0x1f2: {  	[tilespmem:s28], [sflag:$0x2] =	stream.linear.gather [spmem:s21], $0x2800, $0x38;
	[tilespmem:$0x1BE00] =	vst v63  }
0x1f3: {  	_ =	swait.ge [sflag:s20], $0x2800  }
0x1f4: {  	[sflag:s20] =	ssyncset.done $0x0  }
0x1f5: {  	s0 =	simm.s32 $0x13EA0;
	[sflag:s20] =	ssyncadd.s32 $0xFFFFD800  }
0x1f6: {  	[tilespmem:s0+$0xFFFFFFE0] =	vst v0  }
0x1f7: {  	[tilespmem:s0+$0x10] =	vst v0  }
0x1f8: {  	s1 =	simm.s32 $0x0;
	[tilespmem:s0+$0x0] =	vst v0  }
.LBB2_18:
0x1f9: {  	s1 =	sadd.s32 $0x4, s1  }
0x1fa: {  	[tilespmem:s0+$0xFFFFFFF0] =	vst v0;
	s0 =	sadd.s32 $0x40, s0;
	p1 =	slt.u32 s1, $0x27C  }
.Ltmp8:
0x1fb: {  	[tilespmem:s0+$0xFFFFFFE0] =	vst v0;
	(pc) =	sbr.rel @p1 .LBB2_18-.Ltmp8, $3  }
0x1fc: {  	_ =	sdelay $0x1  }
0x1fd: {  	[tilespmem:s0+$0x10] =	vst v0  }
0x1fe: {  	[tilespmem:s0+$0x0] =	vst v0  }
0x1ff: {  	[tilespmem:s0+$0xFFFFFFF0] =	vst v0;
	s24 =	simm.s32 $0xA020  }
0x200: {  	v2 =	vld [tilespmem:s24+$0x10]  }
0x201: {  	v3 =	vld [tilespmem:s24+$0xFFFFFFF0];
	_ =	sdelay $0x1  }
0x202: {  	v5 =	vld [tilespmem:s24+$0xFFFFFFE0]  }
0x203: {  	v6 =	vld [tilespmem:s24+$0x0]  }
0x204: {  	v4 =	vand.u32 $0xFFFF, v2  }
0x205: {  	s26 =	simm.s32 $0xA060;
	v7 =	vand.u32 $0xFFFF, v3  }
0x206: {  	v13 =	vld [tilespmem:s26+$0x10]  }
0x207: {  	v10 =	vld [tilespmem:s26+$0xFFFFFFF0];
	v8 =	vand.u32 $0xFFFF, v5  }
0x208: {  	v14 =	vld [tilespmem:s26+$0xFFFFFFE0];
	v11 =	vand.u32 $0xFFFF, v6  }
0x209: {  	v2 =	vshrl.u32 v2, $0x10;
	v4 =	vld.idx.msk [tilespmem:v4+s28+$0x0], $0xffff  }
0x20a: {  	v3 =	vshrl.u32 v3, $0x10;
	v7 =	vld.idx.msk [tilespmem:v7+s28+$0x0], $0xffff  }
0x20b: {  	v12 =	vld [tilespmem:s26+$0x0];
	v15 =	vand.u32 $0xFFFF, v13  }
0x20c: {  	v16 =	vand.u32 $0xFFFF, v10;
	v9 =	vld.idx.msk [tilespmem:v8+s28+$0x0], $0xffff  }
0x20d: {  	v8 =	vld.idx.msk [tilespmem:v11+s28+$0x0], $0xffff  }
0x20e: {  	[tilespmem:v2+s17+$0x0] =	vst.idx.add.f32.msk $0xffff, v4  }
0x20f: {  	v13 =	vshrl.u32 v13, $0x10;
	v11 =	vand.u32 $0xFFFF, v14;
	[tilespmem:v3+s17+$0x0] =	vst.idx.add.f32.msk $0xffff, v7  }
0x210: {  	v2 =	vshrl.u32 v6, $0x10;
	v6 =	vand.u32 $0xFFFF, v12;
	v3 =	vshrl.u32 v12, $0x10;
	v12 =	vld.idx.msk [tilespmem:v15+s28+$0x0], $0xffff  }
0x211: {  	s0 =	simm.s32 $0x4;
	s1 =	simm.s32 $0xA0A0;
	v4 =	vshrl.u32 v5, $0x10;
	v5 =	vshrl.u32 v10, $0x10;
	v7 =	vshrl.u32 v14, $0x10;
	v10 =	vld.idx.msk [tilespmem:v16+s28+$0x0], $0xffff  }
.LBB2_20:
0x212: {  	v14 =	vld [tilespmem:s1+$0x10];
	s0 =	sadd.s32 $0x4, s0;
	v15 =	vmov v8  }
0x213: {  	v8 =	vld [tilespmem:s1+$0xFFFFFFF0];
	p1 =	slt.u32 s0, $0x4DC  }
0x214: {  	v16 =	vld [tilespmem:s1+$0x0]  }
0x215: {  	v17 =	vld [tilespmem:s1+$0xFFFFFFE0]  }
0x216: {  	[tilespmem:v13+s17+$0x0] =	vst.idx.add.f32.msk $0xffff, v12  }
0x217: {  	v12 =	vand.u32 $0xFFFF, v14;
	v18 =	vld.idx.msk [tilespmem:v11+s28+$0x0], $0xffff  }
0x218: {  	v13 =	vand.u32 $0xFFFF, v8;
	v19 =	vshrl.u32 v8, $0x10;
	v8 =	vld.idx.msk [tilespmem:v6+s28+$0x0], $0xffff  }
.Ltmp9:
0x219: {  	v6 =	vand.u32 $0xFFFF, v16;
	v16 =	vshrl.u32 v16, $0x10;
	[tilespmem:v4+s17+$0x0] =	vst.idx.add.f32.msk $0xffff, v9;
	v4 =	vmov v7;
	(pc) =	sbr.rel @p1 .LBB2_20-.Ltmp9, $4  }
0x21a: {  	v11 =	vand.u32 $0xFFFF, v17;
	v7 =	vshrl.u32 v17, $0x10;
	[tilespmem:v5+s17+$0x0] =	vst.idx.add.f32.msk $0xffff, v10;
	v5 =	vmov v19  }
0x21b: {  	[tilespmem:v2+s17+$0x0] =	vst.idx.add.f32.msk $0xffff, v15;
	v2 =	vmov v3;
	v3 =	vmov v16  }
0x21c: {  	v12 =	vld.idx.msk [tilespmem:v12+s28+$0x0], $0xffff  }
0x21d: {  	s1 =	sadd.s32 $0x40, s1;
	v9 =	vmov v18;
	v10 =	vld.idx.msk [tilespmem:v13+s28+$0x0], $0xffff;
	v13 =	vshrl.u32 v14, $0x10  }
0x21e: {  	_ =	sdelay $0x3  }
0x21f: {  	v11 =	vld.idx.msk [tilespmem:v11+s28+$0x0], $0xffff  }
0x220: {  	v6 =	vld.idx.msk [tilespmem:v6+s28+$0x0], $0xffff  }
0x221: {  	[tilespmem:v4+s17+$0x0] =	vst.idx.add.f32.msk $0xffff, v9  }
0x222: {  	[tilespmem:v2+s17+$0x0] =	vst.idx.add.f32.msk $0xffff, v8  }
0x223: {  	[tilespmem:v13+s17+$0x0] =	vst.idx.add.f32.msk $0xffff, v12  }
0x224: {  	[tilespmem:v5+s17+$0x0] =	vst.idx.add.f32.msk $0xffff, v10  }
0x225: {  	[tilespmem:v7+s17+$0x0] =	vst.idx.add.f32.msk $0xffff, v11  }
0x226: {  	s0 =	simm.s32 $0x0;
	[tilespmem:v3+s17+$0x0] =	vst.idx.add.f32.msk $0xffff, v6  }
.LBB2_22:
0x227: {  	s1 =	sshra.s32 s0, $0x2  }
0x228: {  	v2 =	vld [tilespmem:s1+$0xEE00];
	_ =	sdelay $0x4  }
0x229: {  	v3 =	vand.u32 $0xFFFF, v2;
	_ =	sdelay $0x4  }
0x22a: {  	p1 =	sne.s32 s0, $0x40;
	v2 =	vshrl.u32 v2, $0x10;
	v3 =	vld.idx.msk [tilespmem:v3+s28+$0x0], $0xffff  }
.Ltmp10:
0x22b: {  	_ = 	snop;
	(pc) =	sbr.rel @p1 .LBB2_22-.Ltmp10, $2  }
0x22c: {  	_ =	sdelay $0x2  }
0x22d: {  	s0 =	sadd.s32 $0x40, s0;
	[tilespmem:v2+s17+$0x0] =	vst.idx.add.f32.msk $0xffff, v3  }
0x22e: {  	[spmem:s6] =	stream.strided.scatter [tilespmem:s17], [sflag:$0x2], $0x2800, s31, s30, $0x38;
	[tilespmem:$0x1BE00] =	vst v63  }
0x22f: {  	_ =	swait.ge [sflag:s20], $0x2800  }
0x230: {  	[sflag:s20] =	ssyncset.done $0x0  }
0x231: {  	[sflag:s20] =	ssyncadd.s32 $0xFFFFD800  }
0x232: {  	s0 =	simm.s32 $0x1400;
	s24 =	simm.s32 $0x0;
	[bflag:$0x0] =	sbarrier.arrive $0xFFFF  }
0x233: {  	[tilespmem:s23], [sflag:$0x2] =	stream.strided.gather [spmem:s7], $0x2800, s22, s0, $0x38;
	[tilespmem:$0x1BE00] =	vst v63  }
0x234: {  	s2 =	simm.s32 $0x10;
	s1 =	sand.u32 $0x1C00, s24;
	_ =	swait.ge [sflag:s20], $0x2800  }
0x235: {  	s2 =	sand.u32 $0x70, s2;
	s3 =	sadd.s32 $0x16680, s1;
	[sflag:s20] =	ssyncset.done $0x0  }
0x236: {  	s5 =	sor.u32 s2, s3;
	[sflag:s20] =	ssyncadd.s32 $0xFFFFD800  }
0x237: {  	s0 =	sand.u32 $0x60, s24;
	v2 =	vld [tilespmem:s5+$0x0]  }
0x238: {  	s3 =	sor.u32 s0, s3;
	v3 =	vld [tilespmem:s5+$0x80]  }
0x239: {  	v4 =	vld [tilespmem:s3+$0x0]  }
0x23a: {  	v5 =	vld [tilespmem:s5+$0x100]  }
0x23b: {  	v6 =	vld [tilespmem:s3+$0x80]  }
0x23c: {  	v7 =	vld [tilespmem:s5+$0x180]  }
0x23d: {  	v8 =	vld [tilespmem:s3+$0x100]  }
0x23e: {  	v9 =	vld [tilespmem:s5+$0x200]  }
0x23f: {  	v10 =	vld [tilespmem:s3+$0x180]  }
0x240: {  	v11 =	vld [tilespmem:s5+$0x280]  }
0x241: {  	v12 =	vld [tilespmem:s3+$0x200]  }
0x242: {  	v13 =	vld [tilespmem:s5+$0x300]  }
0x243: {  	v14 =	vld [tilespmem:s3+$0x280]  }
0x244: {  	s9 =	sadd.s32 $0x17A80, s1;
	v15 =	vld [tilespmem:s5+$0x380]  }
0x245: {  	s26 =	sor.u32 s2, s9;
	v16 =	vld [tilespmem:s3+$0x300]  }
0x246: {  	v17 =	vld [tilespmem:s26+$0x0]  }
0x247: {  	s14 =	sadd.s32 $0x17B80, s1;
	s11 =	sor.u32 s0, s9;
	v18 =	vld [tilespmem:s3+$0x380]  }
0x248: {  	s10 =	sadd.s32 $0x17B00, s1;
	s15 =	sor.u32 s2, s14;
	v20 =	vld [tilespmem:s11+$0x0]  }
0x249: {  	s18 =	sadd.s32 $0x17C00, s1;
	s16 =	sor.u32 s0, s10;
	v21 =	vld [tilespmem:s15+$0x0]  }
0x24a: {  	s19 =	sor.u32 s2, s18;
	v22 =	vld [tilespmem:s16+$0x0]  }
0x24b: {  	s24 =	sor.u32 s0, s14;
	v23 =	vld [tilespmem:s19+$0x0]  }
0x24c: {  	s5 =	sor.u32 s2, s10;
	v24 =	vld [tilespmem:s24+$0x0]  }
0x24d: {  	s26 =	sadd.s32 $0x17C80, s1;
	s10 =	sor.u32 s0, s18;
	v19 =	vld [tilespmem:s5+$0x0]  }
0x24e: {  	s11 =	sadd.s32 $0x17D00, s1;
	s5 =	sor.u32 s2, s26;
	v26 =	vld [tilespmem:s10+$0x0]  }
0x24f: {  	s14 =	sor.u32 s2, s11;
	v25 =	vld [tilespmem:s5+$0x0]  }
0x250: {  	s16 =	sadd.s32 $0x17D80, s1;
	s15 =	sor.u32 s0, s26;
	v27 =	vld [tilespmem:s14+$0x0]  }
0x251: {  	s18 =	sor.u32 s2, s16;
	v28 =	vld [tilespmem:s15+$0x0]  }
0x252: {  	s1 =	sadd.s32 $0x17E00, s1;
	s19 =	sor.u32 s0, s11;
	v29 =	vld [tilespmem:s18+$0x0]  }
0x253: {  	s26 =	sor.u32 s2, s1;
	v30 =	vld [tilespmem:s19+$0x0]  }
0x254: {  	s24 =	sadd.s32 $0x0, s4;
	s9 =	sor.u32 s0, s16;
	v31 =	vld [tilespmem:s26+$0x0]  }
0x255: {  	s3 =	sand.u32 $0x7F80, s24;
	s1 =	sor.u32 s0, s1;
	v32 =	vld [tilespmem:s9+$0x0]  }
0x256: {  	s2 =	sor.u32 s2, s3;
	v34 =	vld [tilespmem:s1+$0x0];
	s5 =	simm.s32 $0x100  }
0x257: {  	s3 =	sor.u32 s0, s3;
	s9 =	simm.s32 $0x30;
	v33 =	vld [tilespmem:s2+$0x11680];
	s0 =	sand.u32 $0x1C00, s5  }
0x258: {  	s1 =	sand.u32 $0x70, s9;
	s10 =	sadd.s32 $0x16680, s0;
	v2 =	vadd.f32 v3, v2;
	v3 =	vadd.f32 v6, v4;
	v4 =	vld [tilespmem:s2+$0xEE80]  }
0x259: {  	v6 =	vld [tilespmem:s3+$0x11680];
	s14 =	sor.u32 s1, s10  }
0x25a: {  	s11 =	simm.s32 $0x20;
	v52 =	vld [tilespmem:s14+$0x200];
	v2 =	vadd.f32 v5, v2  }
0x25b: {  	s2 =	sand.u32 $0x60, s11;
	v3 =	vadd.f32 v8, v3;
	v8 =	vld [tilespmem:s14+$0x0]  }
0x25c: {  	s15 =	sor.u32 s2, s10;
	v2 =	vadd.f32 v7, v2;
	v7 =	vld [tilespmem:s14+$0x80]  }
0x25d: {  	v51 =	vld [tilespmem:s15+$0x80];
	v3 =	vadd.f32 v10, v3  }
0x25e: {  	v2 =	vadd.f32 v9, v2;
	v9 =	vld [tilespmem:s14+$0x100]  }
0x25f: {  	v10 =	vld [tilespmem:s15+$0x0];
	v3 =	vadd.f32 v12, v3  }
0x260: {  	v2 =	vadd.f32 v11, v2;
	v11 =	vld [tilespmem:s14+$0x180]  }
0x261: {  	v3 =	vadd.f32 v14, v3;
	v7 =	vadd.f32 v7, v8;
	v8 =	vld [tilespmem:s15+$0x100]  }
0x262: {  	v53 =	vld [tilespmem:s14+$0x280];
	v2 =	vadd.f32 v13, v2  }
0x263: {  	v3 =	vadd.f32 v16, v3;
	v7 =	vadd.f32 v9, v7;
	v9 =	vld [tilespmem:s15+$0x180]  }
0x264: {  	v54 =	vld [tilespmem:s14+$0x300];
	v10 =	vadd.f32 v51, v10;
	v2 =	vadd.f32 v15, v2  }
0x265: {  	v3 =	vadd.f32 v18, v3;
	v7 =	vadd.f32 v11, v7;
	v11 =	vld [tilespmem:s15+$0x200]  }
0x266: {  	s16 =	sadd.s32 $0x17A80, s0;
	v55 =	vld [tilespmem:s14+$0x380];
	v2 =	vadd.f32 v17, v2;
	v8 =	vadd.f32 v8, v10  }
0x267: {  	s18 =	sor.u32 s1, s16;
	v3 =	vadd.f32 v20, v3;
	v10 =	vld [tilespmem:s15+$0x280];
	v7 =	vadd.f32 v52, v7  }
0x268: {  	s19 =	sadd.s32 $0x17B00, s0;
	v56 =	vld [tilespmem:s18+$0x0];
	v2 =	vadd.f32 v19, v2;
	v8 =	vadd.f32 v9, v8  }
0x269: {  	s24 =	sor.u32 s1, s19;
	v3 =	vadd.f32 v22, v3;
	v9 =	vld [tilespmem:s15+$0x300];
	v7 =	vadd.f32 v53, v7  }
0x26a: {  	v57 =	vld [tilespmem:s24+$0x0];
	v2 =	vadd.f32 v21, v2;
	v8 =	vadd.f32 v11, v8  }
0x26b: {  	v3 =	vadd.f32 v24, v3;
	v11 =	vld [tilespmem:s15+$0x380];
	v7 =	vadd.f32 v54, v7  }
0x26c: {  	s26 =	sadd.s32 $0x17B80, s0;
	s5 =	sor.u32 s2, s16;
	v5 =	vld [tilespmem:s3+$0xEE80];
	v2 =	vadd.f32 v23, v2;
	v8 =	vadd.f32 v10, v8  }
0x26d: {  	v3 =	vadd.f32 v26, v3;
	v10 =	vld [tilespmem:s5+$0x0];
	s5 =	sor.u32 s1, s26;
	v7 =	vadd.f32 v55, v7  }
0x26e: {  	s11 =	sor.u32 s2, s19;
	s14 =	sadd.s32 $0x17C00, s0;
	v58 =	vld [tilespmem:s5+$0x0];
	v2 =	vadd.f32 v25, v2;
	v8 =	vadd.f32 v9, v8  }
0x26f: {  	s15 =	sor.u32 s1, s14;
	v3 =	vadd.f32 v28, v3;
	v9 =	vld [tilespmem:s11+$0x0];
	v7 =	vadd.f32 v56, v7  }
0x270: {  	s16 =	sor.u32 s2, s26;
	s18 =	sadd.s32 $0x17C80, s0;
	v59 =	vld [tilespmem:s15+$0x0];
	v2 =	vadd.f32 v27, v2;
	v8 =	vadd.f32 v11, v8  }
0x271: {  	s19 =	sor.u32 s1, s18;
	v3 =	vadd.f32 v30, v3;
	v11 =	vld [tilespmem:s16+$0x0];
	v7 =	vadd.f32 v57, v7  }
0x272: {  	v60 =	vld [tilespmem:s19+$0x0];
	s24 =	sor.u32 s2, s14;
	s26 =	sadd.s32 $0x17D00, s0;
	v2 =	vadd.f32 v29, v2;
	v8 =	vadd.f32 v10, v8  }
0x273: {  	s5 =	sor.u32 s1, s26;
	v3 =	vadd.f32 v32, v3;
	v10 =	vld [tilespmem:s24+$0x0];
	v7 =	vadd.f32 v58, v7  }
0x274: {  	s9 =	sor.u32 s2, s18;
	s11 =	sadd.s32 $0x17D80, s0;
	v61 =	vld [tilespmem:s5+$0x0];
	v2 =	vadd.f32 v31, v2;
	v8 =	vadd.f32 v9, v8  }
0x275: {  	s14 =	sor.u32 s1, s11;
	v3 =	vadd.f32 v34, v3;
	v9 =	vld [tilespmem:s9+$0x0];
	v7 =	vadd.f32 v59, v7  }
0x276: {  	s15 =	sor.u32 s2, s26;
	s16 =	sadd.s32 $0x17E00, s0;
	v63 =	vld [tilespmem:s14+$0x0];
	v62 =	vadd.f32 v33, v2;
	v8 =	vadd.f32 v11, v8  }
0x277: {  	s18 =	sadd.s32 $0x20, s4;
	s19 =	sor.u32 s1, s16;
	v6 =	vadd.f32 v6, v3;
	v2 =	vld [tilespmem:s15+$0x0];
	v7 =	vadd.f32 v60, v7  }
0x278: {  	s24 =	sor.u32 s2, s11;
	s11 =	sand.u32 $0x7F80, s18;
	v3 =	vld [tilespmem:s19+$0x0];
	v11 =	vmul.f32 v62, v4;
	v8 =	vadd.f32 v10, v8  }
0x279: {  	s0 =	simm.s32 $0x18E90;
	s9 =	sor.u32 s1, s11;
	v6 =	vmul.f32 v6, v5;
	v4 =	vld [tilespmem:s24+$0x0];
	v7 =	vadd.f32 v61, v7  }
0x27a: {  	s3 =	simm.s32 $0x40;
	s26 =	sor.u32 s2, s16;
	v5 =	vld [tilespmem:s9+$0x11680];
	[tilespmem:s0+$0x0] =	vst v11;
	v8 =	vadd.f32 v9, v8  }
0x27b: {  	s1 =	simm.s32 $0x2;
	s11 =	sor.u32 s2, s11;
	s2 =	simm.s32 $0x200;
	[tilespmem:s0+$0xFFFFFFF0] =	vst v6;
	v6 =	vld [tilespmem:s26+$0x0];
	v7 =	vadd.f32 v63, v7  }
.LBB2_24:
0x27c: {  	s5 =	sand.u32 $0x60, s3;
	s10 =	sand.u32 $0x1C00, s2;
	s14 =	sadd.s32 $0x10, s3;
	v2 =	vadd.f32 v2, v8;
	v8 =	vld [tilespmem:s9+$0xEE80]  }
0x27d: {  	s1 =	sadd.s32 $0x2, s1;
	s15 =	sadd.s32 $0x16680, s10;
	s9 =	sand.u32 $0x70, s14;
	v9 =	vld [tilespmem:s11+$0x11680];
	v3 =	vadd.f32 v3, v7  }
0x27e: {  	p1 =	slt.u32 s1, $0x26;
	s14 =	sor.u32 s5, s15;
	s15 =	sor.u32 s9, s15;
	v2 =	vadd.f32 v4, v2;
	v4 =	vld [tilespmem:s11+$0xEE80]  }
0x27f: {  	v7 =	vld [tilespmem:s15+$0x0];
	v3 =	vadd.f32 v5, v3  }
0x280: {  	v5 =	vld [tilespmem:s15+$0x80];
	v2 =	vadd.f32 v6, v2  }
0x281: {  	v6 =	vld [tilespmem:s14+$0x0];
	v3 =	vmul.f32 v3, v8  }
0x282: {  	s0 =	sadd.s32 $0x20, s0;
	v8 =	vld [tilespmem:s15+$0x100];
	v2 =	vadd.f32 v9, v2  }
0x283: {  	v9 =	vld [tilespmem:s14+$0x80];
	[tilespmem:s0+$0x0] =	vst v3  }
0x284: {  	v3 =	vld [tilespmem:s15+$0x180];
	v2 =	vmul.f32 v2, v4  }
0x285: {  	v4 =	vld [tilespmem:s14+$0x100];
	v5 =	vadd.f32 v5, v7  }
0x286: {  	v7 =	vld [tilespmem:s15+$0x200];
	[tilespmem:s0+$0xFFFFFFF0] =	vst v2  }
0x287: {  	v2 =	vld [tilespmem:s14+$0x180];
	v5 =	vadd.f32 v8, v5  }
0x288: {  	v6 =	vadd.f32 v9, v6;
	v8 =	vld [tilespmem:s15+$0x280]  }
0x289: {  	v9 =	vld [tilespmem:s14+$0x200];
	v3 =	vadd.f32 v3, v5  }
0x28a: {  	v4 =	vadd.f32 v4, v6;
	v5 =	vld [tilespmem:s15+$0x300]  }
0x28b: {  	v6 =	vld [tilespmem:s14+$0x280];
	v3 =	vadd.f32 v7, v3  }
0x28c: {  	s11 =	sadd.s32 $0x17A80, s10;
	v2 =	vadd.f32 v2, v4;
	v4 =	vld [tilespmem:s15+$0x380]  }
0x28d: {  	s15 =	sor.u32 s5, s11;
	s11 =	sor.u32 s9, s11;
	v7 =	vld [tilespmem:s14+$0x300];
	v3 =	vadd.f32 v8, v3  }
0x28e: {  	s16 =	sadd.s32 $0x17B00, s10;
	v2 =	vadd.f32 v9, v2;
	v8 =	vld [tilespmem:s11+$0x0]  }
0x28f: {  	s11 =	sor.u32 s5, s16;
	v9 =	vld [tilespmem:s14+$0x380];
	v3 =	vadd.f32 v5, v3;
	s14 =	sor.u32 s9, s16  }
0x290: {  	s16 =	sadd.s32 $0x17B80, s10;
	v2 =	vadd.f32 v6, v2;
	v5 =	vld [tilespmem:s14+$0x0]  }
0x291: {  	s14 =	sor.u32 s5, s16;
	v6 =	vld [tilespmem:s15+$0x0];
	v3 =	vadd.f32 v4, v3;
	s15 =	sor.u32 s9, s16  }
0x292: {  	s16 =	sadd.s32 $0x17C00, s10;
	v2 =	vadd.f32 v7, v2;
	v4 =	vld [tilespmem:s15+$0x0]  }
0x293: {  	s15 =	sor.u32 s9, s16;
	v7 =	vld [tilespmem:s11+$0x0];
	s11 =	sor.u32 s5, s16;
	v3 =	vadd.f32 v8, v3  }
0x294: {  	s16 =	sadd.s32 $0x17C80, s10;
	v2 =	vadd.f32 v9, v2;
	v8 =	vld [tilespmem:s15+$0x0]  }
0x295: {  	s15 =	sor.u32 s9, s16;
	v9 =	vld [tilespmem:s14+$0x0];
	s14 =	sor.u32 s5, s16;
	v3 =	vadd.f32 v5, v3  }
0x296: {  	s16 =	sadd.s32 $0x17D00, s10;
	v2 =	vadd.f32 v6, v2;
	v5 =	vld [tilespmem:s15+$0x0]  }
0x297: {  	s15 =	sor.u32 s9, s16;
	v6 =	vld [tilespmem:s11+$0x0];
	s11 =	sor.u32 s5, s16;
	v3 =	vadd.f32 v4, v3  }
0x298: {  	s16 =	sadd.s32 $0x17D80, s10;
	v2 =	vadd.f32 v7, v2;
	v7 =	vld [tilespmem:s15+$0x0]  }
0x299: {  	s10 =	sadd.s32 $0x17E00, s10;
	s15 =	sor.u32 s9, s16;
	v10 =	vld [tilespmem:s14+$0x0];
	s14 =	sor.u32 s5, s16;
	v3 =	vadd.f32 v8, v3  }
0x29a: {  	v4 =	vadd.f32 v9, v2;
	v9 =	vld [tilespmem:s15+$0x0];
	s15 =	sor.u32 s5, s10  }
.Ltmp11:
0x29b: {  	s10 =	sor.u32 s9, s10;
	v2 =	vld [tilespmem:s11+$0x0];
	s11 =	sadd.s32 s3, s4;
	v5 =	vadd.f32 v5, v3;
	(pc) =	sbr.rel @p1 .LBB2_24-.Ltmp11, $4  }
0x29c: {  	v6 =	vadd.f32 v6, v4;
	s16 =	sand.u32 $0x7F80, s11;
	v3 =	vld [tilespmem:s10+$0x0]  }
0x29d: {  	v4 =	vld [tilespmem:s14+$0x0];
	s11 =	sor.u32 s5, s16;
	v7 =	vadd.f32 v7, v5;
	s9 =	sor.u32 s9, s16  }
0x29e: {  	v8 =	vadd.f32 v10, v6;
	v5 =	vld [tilespmem:s9+$0x11680]  }
0x29f: {  	s2 =	sadd.s32 $0x100, s2;
	s3 =	sadd.s32 $0x20, s3;
	v6 =	vld [tilespmem:s15+$0x0];
	v7 =	vadd.f32 v9, v7  }
0x2a0: {  	v2 =	vadd.f32 v2, v8  }
0x2a1: {  	v62 =	vld [tilespmem:s11+$0x11680]  }
0x2a2: {  	v9 =	vld [tilespmem:s9+$0xEE80];
	v2 =	vadd.f32 v4, v2  }
0x2a3: {  	v63 =	vld [tilespmem:s11+$0xEE80];
	v3 =	vadd.f32 v3, v7  }
0x2a4: {  	v2 =	vadd.f32 v6, v2  }
0x2a5: {  	v3 =	vadd.f32 v5, v3  }
0x2a6: {  	v2 =	vadd.f32 v62, v2  }
0x2a7: {  	v3 =	vmul.f32 v3, v9  }
0x2a8: {  	s0 =	sadd.s32 $0x20, s0;
	v2 =	vmul.f32 v2, v63  }
0x2a9: {  	[tilespmem:s0+$0x0] =	vst v3  }
0x2aa: {  	[tilespmem:s0+$0xFFFFFFF0] =	vst v2  }
0x2ab: {  	s1 =	simm.s32 @!p0 $0x18E80;
	s0 =	simm.s32 @!p0 $0x0;
	s2 =	rddreg [dreg:$0x7]  }
0x2ac: {  	[hbm4b:s2+s0] =	stream.linear.scatter @!p0 [tilespmem:s1], [sflag:$0x2], $0x280, $0x38;
	[tilespmem:$0x1BE00] =	vst v63  }
0x2ad: {  	s0 =	simm.s32 @!p0 $0x2  }
0x2ae: {  	_ =	swait.ge @!p0 [sflag:s0], $0x280  }
0x2af: {  	s29 =	sadd.s32 $0x1, s29;
	s26 =	rddreg [dreg:$0x8]  }
0x2b0: {  	p1 =	sne.s32 s29, s26  }
.Ltmp12:
0x2b1: {  	_ = 	snop;
	(pc) =	sbr.rel @p1 .LBB2_1-.Ltmp12, $3  }
0x2b2: {  	_ =	sdelay $0x1  }
0x2b3: {  	[sflag:s0] =	ssyncset.done @!p0 $0x0  }
0x2b4: {  	[sflag:s0] =	ssyncadd.s32 @!p0 $0xFFFFFD80  }
0x2b5: {  	_ =	sfence.sel $0x180000  }
0x2b6: {  	[bflag:$0x0] =	sbarrier.arrive $0xFFFF  }
0x2b7: {  	_ =	strace $0x90000047  }
0x2b8: {  	s0 =	stileid.u32;
	[bflag:$0x2] =	sbarrier.arrive $0xFFFF  }
0x2b9: {  	p0 =	sne.s32 s0, $0x0;
	s0 =	rddreg [dreg:$0x4]  }
0x2ba: {  	s0 =	sadd.s32 @!p0 $0x100000, s0  }
0x2bb: {  	[sflag:s0] =	ssyncadd.tile.s32 @!p0 $0x1;
	_ =	shalt  }
.Lfunc_end2:
_tile_overlayer_lowered:
.L_overlay_start_2:
0x2bc: {  	(tag) =	ssettag $0x2  }
0x2bd: {  	s0 =	rddreg [dreg:$0x0];
	s2 =	stileid.u32  }
0x2be: {  	s1 =	rddreg [dreg:$0x1];
	p0 =	sne.s32 s2, $0x0  }
0x2bf: {  	s3 =	rddreg [dreg:$0x2];
	[bflag:$0x3] =	sbarrier.arrive $0xFFFF;
	s2 =	simm.s32 @!p0 $0x1C02  }
0x2c0: {  	[timem:s3], [sflag:s2] =	dma.local @!p0 [hbm:s0], s1  }
0x2c1: {  	s0 =	simm.s32 @!p0 $0x2  }
0x2c2: {  	_ =	swait.ge @!p0 [sflag:s0], s1  }
0x2c3: {  	s1 =	ssub.s32 @!p0 $0x0, s1;
	[sflag:s0] =	ssyncset.done @!p0 $0x0  }
0x2c4: {  	[sflag:s0] =	ssyncadd.s32 @!p0 s1  }
0x2c5: {  	[bflag:$0x3] =	sbarrier.arrive $0xFFFF  }
0x2c6: {  	_ =	shalt  }

</sc_bundles>
